<compile_context>
chip_gen: v7x
topology: tpu7x:2x2x1
jax: 0.10.2.dev20260603
libtpu: 0.0.44.dev20260713+nightly
codegen_flags: <defaults>
</compile_context>

<pallas_src>
import functools

import jax
import jax.numpy as jnp
from jax import lax
from jax.experimental import pallas as pl
from jax.experimental.pallas import tpu as pltpu
from jax.experimental.pallas import tpu_sc as plsc

G, S, D, E, TOP_K = 2, 2048, 2048, 8, 2
CAP = 256
C_OUT = CAP - 1
BS = 256
NS = S // BS

NSLICE = G * C_OUT * (S // 128)
NF = NSLICE * 8 * 128
ND = NSLICE * 2 * 128
NFP = NF + 8
NDP = ND + 8
NW = 32
NREC = G * S * TOP_K
RROWS = NREC // 128
SL_PER_W = NSLICE // NW
ZCH = SL_PER_W * 8 * 128 // 16


def _router_body(ec_ref, x_ref, w_ref, b_ref, vals_ref, cidx_ref, didx_ref,
                 dval_ref, carry_ref):
    g = pl.program_id(0)
    sblk = pl.program_id(1)

    @pl.when(sblk == 0)
    def _():
        carry_ref[...] = jnp.zeros_like(carry_ref)

    xb = x_ref[0]
    wb = w_ref[...]
    bb = b_ref[...]

    logits = jnp.dot(xb, wb, preferred_element_type=jnp.float32) + bb
    m = jnp.max(logits, axis=1, keepdims=True)
    u = jnp.exp(logits - m)
    q = u / jnp.sum(u, axis=1, keepdims=True)
    qi = lax.bitcast_convert_type(q, jnp.int32)
    p = lax.bitcast_convert_type(qi & jnp.int32(-65536), jnp.float32)

    iota_e = lax.broadcasted_iota(jnp.int32, (BS, E), 1)
    v1 = jnp.max(p, axis=1, keepdims=True)
    sel1 = ((p - v1) == 0).astype(jnp.int32)
    idx1 = jnp.min(iota_e * sel1 + E * (1 - sel1), axis=1, keepdims=True)
    neg_inf = jnp.array(-jnp.inf, dtype=p.dtype)
    is1 = (iota_e - idx1) == 0
    p2 = jnp.where(is1, neg_inf, p)
    v2 = jnp.max(p2, axis=1, keepdims=True)
    sel2 = ((p2 - v2) == 0).astype(jnp.int32)
    idx2 = jnp.min(iota_e * sel2 + E * (1 - sel2), axis=1, keepdims=True)
    is2 = (iota_e - idx2) == 0

    oh1 = is1.astype(jnp.float32)
    oh2 = is2.astype(jnp.float32)
    mask16 = jnp.concatenate([oh1, oh2], axis=1)
    r_i = lax.broadcasted_iota(jnp.int32, (BS, BS), 0)
    c_i = lax.broadcasted_iota(jnp.int32, (BS, BS), 1)
    tri = (c_i <= r_i).astype(jnp.float32)
    pos = jnp.dot(tri, mask16, preferred_element_type=jnp.float32)
    pos = pos + carry_ref[...]
    carry_ref[...] = pos[BS - 1 : BS, :]

    pos1 = jnp.sum(pos[:, :E] * oh1, axis=1, keepdims=True).astype(jnp.int32)
    pos2 = jnp.sum(pos[:, E:] * oh2, axis=1, keepdims=True).astype(jnp.int32)

    ec = ec_ref[0, 0]
    lim = jnp.minimum(jnp.int32(CAP), ec)
    ok1 = (pos1 <= C_OUT) & (pos1 < lim)
    ok2 = (pos2 <= C_OUT) & (pos2 < lim)

    i_tok = lax.broadcasted_iota(jnp.int32, (BS, 1), 0)
    st = sblk * (BS // 128) + (i_tok >> 7)
    sl = i_tok & 127
    sid1 = (g * C_OUT + pos1 - 1) * (S // 128) + st
    sid2 = (g * C_OUT + pos2 - 1) * (S // 128) + st
    c1 = jnp.where(ok1, sid1 * 1024 + idx1 * 128 + sl, NF)
    c2 = jnp.where(ok2, sid2 * 1024 + idx2 * 128 + sl, NF)
    d1 = jnp.where(ok1, sid1 * 256 + (idx1 >> 2) * 128 + sl, ND)
    d2 = jnp.where(ok2, sid2 * 256 + (idx2 >> 2) * 128 + sl, ND)
    b1 = jnp.int32(1) << (8 * (idx1 & 3))
    b2 = jnp.int32(1) << (8 * (idx2 & 3))
    samew = ok1 & ok2 & (d1 == d2)
    bm = jnp.where(samew, b1 | b2, 0)
    b1 = jnp.where(samew, bm, b1)
    b2 = jnp.where(samew, bm, b2)

    def two_rows(col):
        return jnp.transpose(col, (1, 0)).reshape(2, 128)

    vals_ref[0] = jnp.concatenate([two_rows(v1), two_rows(v2)], axis=0)
    cidx_ref[0] = jnp.concatenate([two_rows(c1), two_rows(c2)], axis=0)
    didx_ref[0] = jnp.concatenate([two_rows(d1), two_rows(d2)], axis=0)
    dval_ref[0] = jnp.concatenate([two_rows(b1), two_rows(b2)], axis=0)


def _router_records(x, expert_capacity, W, b):
    xb = x.astype(jnp.bfloat16)
    wb = W.astype(jnp.bfloat16)
    bb = b.astype(jnp.bfloat16).astype(jnp.float32).reshape(1, E)
    ec = jnp.asarray(expert_capacity, jnp.int32).reshape(1, 1)
    grid = (G, NS)
    rec_spec = pl.BlockSpec((1, 4, 128), lambda g, s: (g * NS + s, 0, 0))
    return pl.pallas_call(
        _router_body,
        grid=grid,
        in_specs=[
            pl.BlockSpec(memory_space=pltpu.SMEM),
            pl.BlockSpec((1, BS, D), lambda g, s: (g, s, 0)),
            pl.BlockSpec((D, E), lambda g, s: (0, 0)),
            pl.BlockSpec((1, E), lambda g, s: (0, 0)),
        ],
        out_specs=[rec_spec] * 4,
        out_shape=[
            jax.ShapeDtypeStruct((RROWS // 4, 4, 128), jnp.float32),
            jax.ShapeDtypeStruct((RROWS // 4, 4, 128), jnp.int32),
            jax.ShapeDtypeStruct((RROWS // 4, 4, 128), jnp.int32),
            jax.ShapeDtypeStruct((RROWS // 4, 4, 128), jnp.int32),
        ],
        scratch_shapes=[pltpu.VMEM((1, 2 * E), jnp.float32)],
    )(ec, xb, wb, bb)


def _sc_body(vals_hbm, cidx_hbm, didx_hbm, dval_hbm, comb_hbm, dispw_hbm,
             zf, zi, rv, rc, rd, rw, semz, sems):
    wid = lax.axis_index("s") * 2 + lax.axis_index("c")

    zeros16f = jnp.zeros((16,), jnp.float32)
    zeros16i = jnp.zeros((16,), jnp.int32)

    def memset_body(i, _):
        zf[pl.ds(i * 16, 16)] = zeros16f
        zi[pl.ds(i * 16, 16)] = zeros16i
        return _

    lax.fori_loop(0, ZCH // 16, memset_body, 0, unroll=4)

    comb_base = wid * (SL_PER_W * 8 * 128)
    disp_base = wid * (SL_PER_W * 2 * 128)

    def zfire(i, _):
        pltpu.make_async_copy(
            zf, comb_hbm.at[pl.ds(comb_base + i * ZCH, ZCH)], semz).start()
        return _

    def dfire(i, _):
        pltpu.make_async_copy(
            zi, dispw_hbm.at[pl.ds(disp_base + i * ZCH, ZCH)], semz).start()
        return _

    lax.fori_loop(0, 16, zfire, 0)
    lax.fori_loop(0, 4, dfire, 0)

    pltpu.sync_copy(vals_hbm, rv)
    pltpu.sync_copy(cidx_hbm, rc)
    pltpu.sync_copy(didx_hbm, rd)
    pltpu.sync_copy(dval_hbm, rw)

    lo = wid * SL_PER_W
    hi = lo + SL_PER_W

    def mask_body(j, _):
        off = j * 16
        cv = rc[pl.ds(off, 16)]
        sid = cv >> 10
        keep = (sid >= lo) & (sid < hi)
        rc[pl.ds(off, 16)] = jnp.where(keep, cv, NF)
        dv = rd[pl.ds(off, 16)]
        rd[pl.ds(off, 16)] = jnp.where(keep, dv, ND)
        return _

    lax.fori_loop(0, NREC // 16, mask_body, 0, unroll=4)

    def zdrain(i, _):
        pltpu.make_async_copy(
            comb_hbm.at[pl.ds(0, ZCH)], zf, semz).wait()
        return _

    lax.fori_loop(0, 20, zdrain, 0)

    h1 = pltpu.make_async_copy(rv, comb_hbm.at[rc], sems)
    h1.start()
    h2 = pltpu.make_async_copy(rw, dispw_hbm.at[rd], sems)
    h2.start()
    h1.wait()
    h2.wait()


@functools.partial(jax.jit, static_argnames=())
def kernel(x, expert_capacity, W, b):
    vals, cidx, didx, dval = (a.reshape(NREC) for a in
                              _router_records(x, expert_capacity, W, b))

    mesh = plsc.VectorSubcoreMesh(core_axis_name="c", subcore_axis_name="s")
    comb_flat, dispw = pl.kernel(
        _sc_body,
        out_type=[
            jax.ShapeDtypeStruct((NFP,), jnp.float32),
            jax.ShapeDtypeStruct((NDP,), jnp.int32),
        ],
        mesh=mesh,
        scratch_types=[
            pltpu.VMEM((ZCH,), jnp.float32),
            pltpu.VMEM((ZCH,), jnp.int32),
            pltpu.VMEM((NREC,), jnp.float32),
            pltpu.VMEM((NREC,), jnp.int32),
            pltpu.VMEM((NREC,), jnp.int32),
            pltpu.VMEM((NREC,), jnp.int32),
            pltpu.SemaphoreType.DMA,
            pltpu.SemaphoreType.DMA,
        ],
    )(vals, cidx, didx, dval)

    comb = (comb_flat[:NF]
            .reshape(G, C_OUT, S // 128, E, 128)
            .transpose(0, 2, 4, 3, 1)
            .reshape(G, S, E, C_OUT))
    d8 = lax.bitcast_convert_type(dispw[:ND], jnp.int8)
    disp = (d8.reshape(G, C_OUT, S // 128, 2, 128, 4)
            .transpose(0, 2, 4, 3, 5, 1)
            .reshape(G, S, E, C_OUT)
            .astype(jnp.bool_))
    return (comb, disp, 0.0)

# --- scband reference (transcript-rebuilt; emitter-appended) ---
"""Pipeline reference for scband-router-76871324663966 (READ-ONLY COPY).

The authoritative reference and input builder live on the scoring server;
editing this copy changes nothing except your own understanding.
"""

import jax, jax.numpy as jnp
import numpy as np

G, S, D, E, TOP_K = 2, 2048, 2048, 8, 2
EXPERT_CAPACITY = 256


def setup_inputs(seed: int = 0) -> dict:
    key = jax.random.key(seed)
    k1, k2 = jax.random.split(key, 2)
    x = jax.random.normal(k1, (G, S, D), dtype=jnp.float32)
    # xavier_normal init for gate kernel [D, E]
    std = (2.0 / (D + E)) ** 0.5
    W = jax.random.normal(k2, (D, E), dtype=jnp.float32) * std
    b = jnp.zeros((E,), dtype=jnp.float32)
    return {"x": x, "expert_capacity": 256, "W": W, "b": b}


def reference(x, expert_capacity, W, b):
    dtype = jnp.bfloat16
    # nn.Dense with dtype=bf16: cast inputs and params to bf16
    xb = x.astype(dtype)
    gating_logits = jnp.einsum('gsd,de->gse', xb, W.astype(dtype)) + b.astype(dtype)
    gating_probs = jax.nn.softmax(gating_logits)
    expert_gate, expert_index = jax.lax.top_k(gating_probs, TOP_K)
    # jax.nn.one_hot default dtype is float32 (as in the original module)
    expert_mask = jax.nn.one_hot(expert_index, num_classes=gating_probs.shape[2])
    combined_expert_mask = jnp.sum(expert_mask, axis=2)
    # training=False -> loss = 0.0
    loss = 0.0
    position_in_expert = jnp.cumsum(expert_mask, axis=1) * expert_mask
    valid_assignment = jnp.less(position_in_expert, expert_capacity)
    expert_gate_valid = expert_gate[..., None] * valid_assignment.astype(expert_gate.dtype)
    combine_tensor_per_assignment = expert_gate_valid[..., None] * jax.nn.one_hot(position_in_expert, num_classes=EXPERT_CAPACITY)
    combine_tensor = jnp.sum(combine_tensor_per_assignment, axis=2)
    combine_tensor = combine_tensor[..., 1:]
    dispatch_mask = combine_tensor.astype(bool)
    return (combine_tensor, dispatch_mask, loss)

if __name__ == "__main__":
    import jax
    _d = setup_inputs()
    print(jax.jit(kernel)(*tuple(_d.values())))

</pallas_src>

<mosaic_0001>
#map = affine_map<(d0, d1) -> (0)>
module attributes {stable_mosaic.version = 14 : i64} {
  func.func @_sc_body(%arg0: i32, %arg1: i32, %arg2: memref<8192xf32, #tpu.memory_space<hbm>>, %arg3: memref<8192xi32, #tpu.memory_space<hbm>>, %arg4: memref<8192xi32, #tpu.memory_space<hbm>>, %arg5: memref<8192xi32, #tpu.memory_space<hbm>>, %arg6: memref<8355848xf32, #tpu.memory_space<hbm>>, %arg7: memref<2088968xi32, #tpu.memory_space<hbm>>, %arg8: memref<16320xf32, #tpu.memory_space<vmem>>, %arg9: memref<16320xi32, #tpu.memory_space<vmem>>, %arg10: memref<8192xf32, #tpu.memory_space<vmem>>, %arg11: memref<8192xi32, #tpu.memory_space<vmem>>, %arg12: memref<8192xi32, #tpu.memory_space<vmem>>, %arg13: memref<8192xi32, #tpu.memory_space<vmem>>, %arg14: memref<!tpu.dma_semaphore, #tpu.memory_space<semaphore_mem>>, %arg15: memref<!tpu.dma_semaphore, #tpu.memory_space<semaphore_mem>>) attributes {dimension_semantics = [#tpu.dimension_semantics<core_parallel>, #tpu.dimension_semantics<subcore_parallel>], iteration_bounds = array<i64: 2, 16>, scalar_prefetch = 0 : i64, scratch_operands = 8 : i64, tpu.core_type = #tpu.core_type<sc_vector_subcore>, window_params = [{transform_indices = #map}, {transform_indices = #map}, {transform_indices = #map}, {transform_indices = #map}, {transform_indices = #map}, {transform_indices = #map}]} {
    %mul3A = arith.constant 2 : i32
    %mul3A_0 = arith.muli %arg1, %mul3A : i32
    %add3A = arith.addi %mul3A_0, %arg0 : i32
    %broadcast_in_dim3A = arith.constant 0.000000e+00 : f32
    %broadcast_in_dim3A_1 = vector.broadcast %broadcast_in_dim3A : f32 to vector<16xf32>
    %broadcast_in_dim3A_2 = arith.constant 0 : i32
    %broadcast_in_dim3A_3 = vector.broadcast %broadcast_in_dim3A_2 : i32 to vector<16xi32>
    %scan3A = arith.constant 0 : i32
    %scan3A_4 = arith.constant 0 : i32
    %scan3A_5 = arith.constant 1020 : i32
    %scan3A_6 = arith.addi %scan3A_4, %scan3A_5 : i32
    %scan3A_7 = arith.constant 4 : i32
    scf.for %scan3A_47 = %scan3A_4 to %scan3A_6 step %scan3A_7  : i32 {
      %mul3A_48 = arith.constant 16 : i32
      %mul3A_49 = arith.muli %scan3A_47, %mul3A_48 : i32
      %swap3A = arith.index_cast %mul3A_49 : i32 to index
      %swap3A_50 = tpu.vector_load %arg8[%swap3A] {strides = array<i32>} : memref<16320xf32, #tpu.memory_space<vmem>>, vector<16xf32>,
      %swap3A_51 = vector.shape_cast %swap3A_50 : vector<16xf32> to vector<16xf32>
      %swap3A_52 = vector.shape_cast %broadcast_in_dim3A_1 : vector<16xf32> to vector<16xf32>
      tpu.vector_store %arg8[%swap3A], %swap3A_52 {strides = array<i32>} : memref<16320xf32, #tpu.memory_space<vmem>>, vector<16xf32>,
      %mul3A_53 = arith.constant 16 : i32
      %mul3A_54 = arith.muli %scan3A_47, %mul3A_53 : i32
      %swap3A_55 = arith.index_cast %mul3A_54 : i32 to index
      %swap3A_56 = tpu.vector_load %arg9[%swap3A_55] {strides = array<i32>} : memref<16320xi32, #tpu.memory_space<vmem>>, vector<16xi32>,
      %swap3A_57 = vector.shape_cast %swap3A_56 : vector<16xi32> to vector<16xi32>
      %swap3A_58 = vector.shape_cast %broadcast_in_dim3A_3 : vector<16xi32> to vector<16xi32>
      tpu.vector_store %arg9[%swap3A_55], %swap3A_58 {strides = array<i32>} : memref<16320xi32, #tpu.memory_space<vmem>>, vector<16xi32>,
      %scan3A_59 = arith.constant 1 : i32
      %scan3A_60 = arith.addi %scan3A_47, %scan3A_59 : i32
      %mul3A_61 = arith.constant 16 : i32
      %mul3A_62 = arith.muli %scan3A_60, %mul3A_61 : i32
      %swap3A_63 = arith.index_cast %mul3A_62 : i32 to index
      %swap3A_64 = tpu.vector_load %arg8[%swap3A_63] {strides = array<i32>} : memref<16320xf32, #tpu.memory_space<vmem>>, vector<16xf32>,
      %swap3A_65 = vector.shape_cast %swap3A_64 : vector<16xf32> to vector<16xf32>
      %swap3A_66 = vector.shape_cast %broadcast_in_dim3A_1 : vector<16xf32> to vector<16xf32>
      tpu.vector_store %arg8[%swap3A_63], %swap3A_66 {strides = array<i32>} : memref<16320xf32, #tpu.memory_space<vmem>>, vector<16xf32>,
      %mul3A_67 = arith.constant 16 : i32
      %mul3A_68 = arith.muli %scan3A_60, %mul3A_67 : i32
      %swap3A_69 = arith.index_cast %mul3A_68 : i32 to index
      %swap3A_70 = tpu.vector_load %arg9[%swap3A_69] {strides = array<i32>} : memref<16320xi32, #tpu.memory_space<vmem>>, vector<16xi32>,
      %swap3A_71 = vector.shape_cast %swap3A_70 : vector<16xi32> to vector<16xi32>
      %swap3A_72 = vector.shape_cast %broadcast_in_dim3A_3 : vector<16xi32> to vector<16xi32>
      tpu.vector_store %arg9[%swap3A_69], %swap3A_72 {strides = array<i32>} : memref<16320xi32, #tpu.memory_space<vmem>>, vector<16xi32>,
      %scan3A_73 = arith.constant 2 : i32
      %scan3A_74 = arith.addi %scan3A_47, %scan3A_73 : i32
      %mul3A_75 = arith.constant 16 : i32
      %mul3A_76 = arith.muli %scan3A_74, %mul3A_75 : i32
      %swap3A_77 = arith.index_cast %mul3A_76 : i32 to index
      %swap3A_78 = tpu.vector_load %arg8[%swap3A_77] {strides = array<i32>} : memref<16320xf32, #tpu.memory_space<vmem>>, vector<16xf32>,
      %swap3A_79 = vector.shape_cast %swap3A_78 : vector<16xf32> to vector<16xf32>
      %swap3A_80 = vector.shape_cast %broadcast_in_dim3A_1 : vector<16xf32> to vector<16xf32>
      tpu.vector_store %arg8[%swap3A_77], %swap3A_80 {strides = array<i32>} : memref<16320xf32, #tpu.memory_space<vmem>>, vector<16xf32>,
      %mul3A_81 = arith.constant 16 : i32
      %mul3A_82 = arith.muli %scan3A_74, %mul3A_81 : i32
      %swap3A_83 = arith.index_cast %mul3A_82 : i32 to index
      %swap3A_84 = tpu.vector_load %arg9[%swap3A_83] {strides = array<i32>} : memref<16320xi32, #tpu.memory_space<vmem>>, vector<16xi32>,
      %swap3A_85 = vector.shape_cast %swap3A_84 : vector<16xi32> to vector<16xi32>
      %swap3A_86 = vector.shape_cast %broadcast_in_dim3A_3 : vector<16xi32> to vector<16xi32>
      tpu.vector_store %arg9[%swap3A_83], %swap3A_86 {strides = array<i32>} : memref<16320xi32, #tpu.memory_space<vmem>>, vector<16xi32>,
      %scan3A_87 = arith.constant 3 : i32
      %scan3A_88 = arith.addi %scan3A_47, %scan3A_87 : i32
      %mul3A_89 = arith.constant 16 : i32
      %mul3A_90 = arith.muli %scan3A_88, %mul3A_89 : i32
      %swap3A_91 = arith.index_cast %mul3A_90 : i32 to index
      %swap3A_92 = tpu.vector_load %arg8[%swap3A_91] {strides = array<i32>} : memref<16320xf32, #tpu.memory_space<vmem>>, vector<16xf32>,
      %swap3A_93 = vector.shape_cast %swap3A_92 : vector<16xf32> to vector<16xf32>
      %swap3A_94 = vector.shape_cast %broadcast_in_dim3A_1 : vector<16xf32> to vector<16xf32>
      tpu.vector_store %arg8[%swap3A_91], %swap3A_94 {strides = array<i32>} : memref<16320xf32, #tpu.memory_space<vmem>>, vector<16xf32>,
      %mul3A_95 = arith.constant 16 : i32
      %mul3A_96 = arith.muli %scan3A_88, %mul3A_95 : i32
      %swap3A_97 = arith.index_cast %mul3A_96 : i32 to index
      %swap3A_98 = tpu.vector_load %arg9[%swap3A_97] {strides = array<i32>} : memref<16320xi32, #tpu.memory_space<vmem>>, vector<16xi32>,
      %swap3A_99 = vector.shape_cast %swap3A_98 : vector<16xi32> to vector<16xi32>
      %swap3A_100 = vector.shape_cast %broadcast_in_dim3A_3 : vector<16xi32> to vector<16xi32>
      tpu.vector_store %arg9[%swap3A_97], %swap3A_100 {strides = array<i32>} : memref<16320xi32, #tpu.memory_space<vmem>>, vector<16xi32>,
    }
    %scan3A_8 = arith.constant 1020 : i32
    %mul3A_9 = arith.constant 261120 : i32
    %mul3A_10 = arith.muli %add3A, %mul3A_9 : i32
    %mul3A_11 = arith.constant 65280 : i32
    %mul3A_12 = arith.muli %add3A, %mul3A_11 : i32
    %scan3A_13 = arith.constant 0 : i32
    %scan3A_14 = arith.constant 0 : i32
    %scan3A_15 = arith.constant 16 : i32
    %scan3A_16 = arith.addi %scan3A_14, %scan3A_15 : i32
    %scan3A_17 = arith.constant 1 : i32
    scf.for %scan3A_47 = %scan3A_14 to %scan3A_16 step %scan3A_17  : i32 {
      %mul3A_48 = arith.constant 16320 : i32
      %mul3A_49 = arith.muli %scan3A_47, %mul3A_48 : i32
      %add3A_50 = arith.addi %mul3A_10, %mul3A_49 : i32
      %dma_start3A_51 = tpu.memref_slice %arg6[%add3A_50] : memref<8355848xf32, #tpu.memory_space<hbm>> -> memref<16320xf32, #tpu.memory_space<hbm>>
      %dma_start3A_52 = tpu.memref_slice %arg6[%add3A_50] : memref<8355848xf32, #tpu.memory_space<hbm>> -> memref<16320xf32, #tpu.memory_space<hbm>>
      tpu.enqueue_dma source(%arg8 : memref<16320xf32, #tpu.memory_space<vmem>>) target(%dma_start3A_52 : memref<16320xf32, #tpu.memory_space<hbm>>) target_semaphore(%arg14 : memref<!tpu.dma_semaphore, #tpu.memory_space<semaphore_mem>>)
    }
    %scan3A_18 = arith.constant 16 : i32
    %scan3A_19 = arith.constant 0 : i32
    %scan3A_20 = arith.constant 0 : i32
    %scan3A_21 = arith.constant 4 : i32
    %scan3A_22 = arith.addi %scan3A_20, %scan3A_21 : i32
    %scan3A_23 = arith.constant 1 : i32
    scf.for %scan3A_47 = %scan3A_20 to %scan3A_22 step %scan3A_23  : i32 {
      %mul3A_48 = arith.constant 16320 : i32
      %mul3A_49 = arith.muli %scan3A_47, %mul3A_48 : i32
      %add3A_50 = arith.addi %mul3A_12, %mul3A_49 : i32
      %dma_start3A_51 = tpu.memref_slice %arg7[%add3A_50] : memref<2088968xi32, #tpu.memory_space<hbm>> -> memref<16320xi32, #tpu.memory_space<hbm>>
      %dma_start3A_52 = tpu.memref_slice %arg7[%add3A_50] : memref<2088968xi32, #tpu.memory_space<hbm>> -> memref<16320xi32, #tpu.memory_space<hbm>>
      tpu.enqueue_dma source(%arg9 : memref<16320xi32, #tpu.memory_space<vmem>>) target(%dma_start3A_52 : memref<16320xi32, #tpu.memory_space<hbm>>) target_semaphore(%arg14 : memref<!tpu.dma_semaphore, #tpu.memory_space<semaphore_mem>>)
    }
    %scan3A_24 = arith.constant 4 : i32
    "tpu.region"() ({
      %run_scoped3A = tpu.sem_alloc : memref<!tpu.dma_semaphore, #tpu.memory_space<semaphore_mem>>
      tpu.enqueue_dma source(%arg2 : memref<8192xf32, #tpu.memory_space<hbm>>) target(%arg10 : memref<8192xf32, #tpu.memory_space<vmem>>) target_semaphore(%run_scoped3A : memref<!tpu.dma_semaphore, #tpu.memory_space<semaphore_mem>>)
      tpu.wait_dma2 semaphore(%run_scoped3A : memref<!tpu.dma_semaphore, #tpu.memory_space<semaphore_mem>>) src(%arg2 : memref<8192xf32, #tpu.memory_space<hbm>>) dst(%arg10 : memref<8192xf32, #tpu.memory_space<vmem>>)
      tpu.yield
    }) : () -> ()
    "tpu.region"() ({
      %run_scoped3A = tpu.sem_alloc : memref<!tpu.dma_semaphore, #tpu.memory_space<semaphore_mem>>
      tpu.enqueue_dma source(%arg3 : memref<8192xi32, #tpu.memory_space<hbm>>) target(%arg11 : memref<8192xi32, #tpu.memory_space<vmem>>) target_semaphore(%run_scoped3A : memref<!tpu.dma_semaphore, #tpu.memory_space<semaphore_mem>>)
      tpu.wait_dma2 semaphore(%run_scoped3A : memref<!tpu.dma_semaphore, #tpu.memory_space<semaphore_mem>>) src(%arg3 : memref<8192xi32, #tpu.memory_space<hbm>>) dst(%arg11 : memref<8192xi32, #tpu.memory_space<vmem>>)
      tpu.yield
    }) : () -> ()
    "tpu.region"() ({
      %run_scoped3A = tpu.sem_alloc : memref<!tpu.dma_semaphore, #tpu.memory_space<semaphore_mem>>
      tpu.enqueue_dma source(%arg4 : memref<8192xi32, #tpu.memory_space<hbm>>) target(%arg12 : memref<8192xi32, #tpu.memory_space<vmem>>) target_semaphore(%run_scoped3A : memref<!tpu.dma_semaphore, #tpu.memory_space<semaphore_mem>>)
      tpu.wait_dma2 semaphore(%run_scoped3A : memref<!tpu.dma_semaphore, #tpu.memory_space<semaphore_mem>>) src(%arg4 : memref<8192xi32, #tpu.memory_space<hbm>>) dst(%arg12 : memref<8192xi32, #tpu.memory_space<vmem>>)
      tpu.yield
    }) : () -> ()
    "tpu.region"() ({
      %run_scoped3A = tpu.sem_alloc : memref<!tpu.dma_semaphore, #tpu.memory_space<semaphore_mem>>
      tpu.enqueue_dma source(%arg5 : memref<8192xi32, #tpu.memory_space<hbm>>) target(%arg13 : memref<8192xi32, #tpu.memory_space<vmem>>) target_semaphore(%run_scoped3A : memref<!tpu.dma_semaphore, #tpu.memory_space<semaphore_mem>>)
      tpu.wait_dma2 semaphore(%run_scoped3A : memref<!tpu.dma_semaphore, #tpu.memory_space<semaphore_mem>>) src(%arg5 : memref<8192xi32, #tpu.memory_space<hbm>>) dst(%arg13 : memref<8192xi32, #tpu.memory_space<vmem>>)
      tpu.yield
    }) : () -> ()
    %mul3A_25 = arith.constant 255 : i32
    %mul3A_26 = arith.muli %add3A, %mul3A_25 : i32
    %add3A_27 = arith.constant 255 : i32
    %add3A_28 = arith.addi %mul3A_26, %add3A_27 : i32
    %scan3A_29 = arith.constant 0 : i32
    %scan3A_30 = arith.constant 0 : i32
    %scan3A_31 = arith.constant 512 : i32
    %scan3A_32 = arith.addi %scan3A_30, %scan3A_31 : i32
    %scan3A_33 = arith.constant 4 : i32
    scf.for %scan3A_47 = %scan3A_30 to %scan3A_32 step %scan3A_33  : i32 {
      %mul3A_48 = arith.constant 16 : i32
      %mul3A_49 = arith.muli %scan3A_47, %mul3A_48 : i32
      %get3A = arith.index_cast %mul3A_49 : i32 to index
      %get3A_50 = tpu.vector_load %arg11[%get3A] {strides = array<i32>} : memref<8192xi32, #tpu.memory_space<vmem>>, vector<16xi32>,
      %get3A_51 = vector.shape_cast %get3A_50 : vector<16xi32> to vector<16xi32>
      %shift_right_arithmetic3A = arith.constant 10 : i32
      %shift_right_arithmetic3A_52 = vector.broadcast %shift_right_arithmetic3A : i32 to vector<16xi32>
      %shift_right_arithmetic3A_53 = arith.shrsi %get3A_51, %shift_right_arithmetic3A_52 : vector<16xi32>
      %ge3A = vector.broadcast %mul3A_26 : i32 to vector<16xi32>
      %ge3A_54 = arith.cmpi sge, %shift_right_arithmetic3A_53, %ge3A : vector<16xi32>
      %lt3A = vector.broadcast %add3A_28 : i32 to vector<16xi32>
      %lt3A_55 = arith.cmpi slt, %shift_right_arithmetic3A_53, %lt3A : vector<16xi32>
      %and3A = arith.andi %ge3A_54, %lt3A_55 : vector<16xi1>
      %jit3A = arith.constant 8355840 : i32
      %broadcast_in_dim3A_56 = vector.broadcast %jit3A : i32 to vector<16xi32>
      %select_n3A = arith.select %and3A, %get3A_51, %broadcast_in_dim3A_56 : vector<16xi1>, vector<16xi32>
      %swap3A = arith.index_cast %mul3A_49 : i32 to index
      %swap3A_57 = tpu.vector_load %arg11[%swap3A] {strides = array<i32>} : memref<8192xi32, #tpu.memory_space<vmem>>, vector<16xi32>,
      %swap3A_58 = vector.shape_cast %swap3A_57 : vector<16xi32> to vector<16xi32>
      %swap3A_59 = vector.shape_cast %select_n3A : vector<16xi32> to vector<16xi32>
      tpu.vector_store %arg11[%swap3A], %swap3A_59 {strides = array<i32>} : memref<8192xi32, #tpu.memory_space<vmem>>, vector<16xi32>,
      %get3A_60 = arith.index_cast %mul3A_49 : i32 to index
      %get3A_61 = tpu.vector_load %arg12[%get3A_60] {strides = array<i32>} : memref<8192xi32, #tpu.memory_space<vmem>>, vector<16xi32>,
      %get3A_62 = vector.shape_cast %get3A_61 : vector<16xi32> to vector<16xi32>
      %jit3A_63 = arith.constant 2088960 : i32
      %broadcast_in_dim3A_64 = vector.broadcast %jit3A_63 : i32 to vector<16xi32>
      %select_n3A_65 = arith.select %and3A, %get3A_62, %broadcast_in_dim3A_64 : vector<16xi1>, vector<16xi32>
      %swap3A_66 = arith.index_cast %mul3A_49 : i32 to index
      %swap3A_67 = tpu.vector_load %arg12[%swap3A_66] {strides = array<i32>} : memref<8192xi32, #tpu.memory_space<vmem>>, vector<16xi32>,
      %swap3A_68 = vector.shape_cast %swap3A_67 : vector<16xi32> to vector<16xi32>
      %swap3A_69 = vector.shape_cast %select_n3A_65 : vector<16xi32> to vector<16xi32>
      tpu.vector_store %arg12[%swap3A_66], %swap3A_69 {strides = array<i32>} : memref<8192xi32, #tpu.memory_space<vmem>>, vector<16xi32>,
      %scan3A_70 = arith.constant 1 : i32
      %scan3A_71 = arith.addi %scan3A_47, %scan3A_70 : i32
      %mul3A_72 = arith.constant 16 : i32
      %mul3A_73 = arith.muli %scan3A_71, %mul3A_72 : i32
      %get3A_74 = arith.index_cast %mul3A_73 : i32 to index
      %get3A_75 = tpu.vector_load %arg11[%get3A_74] {strides = array<i32>} : memref<8192xi32, #tpu.memory_space<vmem>>, vector<16xi32>,
      %get3A_76 = vector.shape_cast %get3A_75 : vector<16xi32> to vector<16xi32>
      %shift_right_arithmetic3A_77 = arith.constant 10 : i32
      %shift_right_arithmetic3A_78 = vector.broadcast %shift_right_arithmetic3A_77 : i32 to vector<16xi32>
      %shift_right_arithmetic3A_79 = arith.shrsi %get3A_76, %shift_right_arithmetic3A_78 : vector<16xi32>
      %ge3A_80 = vector.broadcast %mul3A_26 : i32 to vector<16xi32>
      %ge3A_81 = arith.cmpi sge, %shift_right_arithmetic3A_79, %ge3A_80 : vector<16xi32>
      %lt3A_82 = vector.broadcast %add3A_28 : i32 to vector<16xi32>
      %lt3A_83 = arith.cmpi slt, %shift_right_arithmetic3A_79, %lt3A_82 : vector<16xi32>
      %and3A_84 = arith.andi %ge3A_81, %lt3A_83 : vector<16xi1>
      %jit3A_85 = arith.constant 8355840 : i32
      %broadcast_in_dim3A_86 = vector.broadcast %jit3A_85 : i32 to vector<16xi32>
      %select_n3A_87 = arith.select %and3A_84, %get3A_76, %broadcast_in_dim3A_86 : vector<16xi1>, vector<16xi32>
      %swap3A_88 = arith.index_cast %mul3A_73 : i32 to index
      %swap3A_89 = tpu.vector_load %arg11[%swap3A_88] {strides = array<i32>} : memref<8192xi32, #tpu.memory_space<vmem>>, vector<16xi32>,
      %swap3A_90 = vector.shape_cast %swap3A_89 : vector<16xi32> to vector<16xi32>
      %swap3A_91 = vector.shape_cast %select_n3A_87 : vector<16xi32> to vector<16xi32>
      tpu.vector_store %arg11[%swap3A_88], %swap3A_91 {strides = array<i32>} : memref<8192xi32, #tpu.memory_space<vmem>>, vector<16xi32>,
      %get3A_92 = arith.index_cast %mul3A_73 : i32 to index
      %get3A_93 = tpu.vector_load %arg12[%get3A_92] {strides = array<i32>} : memref<8192xi32, #tpu.memory_space<vmem>>, vector<16xi32>,
      %get3A_94 = vector.shape_cast %get3A_93 : vector<16xi32> to vector<16xi32>
      %jit3A_95 = arith.constant 2088960 : i32
      %broadcast_in_dim3A_96 = vector.broadcast %jit3A_95 : i32 to vector<16xi32>
      %select_n3A_97 = arith.select %and3A_84, %get3A_94, %broadcast_in_dim3A_96 : vector<16xi1>, vector<16xi32>
      %swap3A_98 = arith.index_cast %mul3A_73 : i32 to index
      %swap3A_99 = tpu.vector_load %arg12[%swap3A_98] {strides = array<i32>} : memref<8192xi32, #tpu.memory_space<vmem>>, vector<16xi32>,
      %swap3A_100 = vector.shape_cast %swap3A_99 : vector<16xi32> to vector<16xi32>
      %swap3A_101 = vector.shape_cast %select_n3A_97 : vector<16xi32> to vector<16xi32>
      tpu.vector_store %arg12[%swap3A_98], %swap3A_101 {strides = array<i32>} : memref<8192xi32, #tpu.memory_space<vmem>>, vector<16xi32>,
      %scan3A_102 = arith.constant 2 : i32
      %scan3A_103 = arith.addi %scan3A_47, %scan3A_102 : i32
      %mul3A_104 = arith.constant 16 : i32
      %mul3A_105 = arith.muli %scan3A_103, %mul3A_104 : i32
      %get3A_106 = arith.index_cast %mul3A_105 : i32 to index
      %get3A_107 = tpu.vector_load %arg11[%get3A_106] {strides = array<i32>} : memref<8192xi32, #tpu.memory_space<vmem>>, vector<16xi32>,
      %get3A_108 = vector.shape_cast %get3A_107 : vector<16xi32> to vector<16xi32>
      %shift_right_arithmetic3A_109 = arith.constant 10 : i32
      %shift_right_arithmetic3A_110 = vector.broadcast %shift_right_arithmetic3A_109 : i32 to vector<16xi32>
      %shift_right_arithmetic3A_111 = arith.shrsi %get3A_108, %shift_right_arithmetic3A_110 : vector<16xi32>
      %ge3A_112 = vector.broadcast %mul3A_26 : i32 to vector<16xi32>
      %ge3A_113 = arith.cmpi sge, %shift_right_arithmetic3A_111, %ge3A_112 : vector<16xi32>
      %lt3A_114 = vector.broadcast %add3A_28 : i32 to vector<16xi32>
      %lt3A_115 = arith.cmpi slt, %shift_right_arithmetic3A_111, %lt3A_114 : vector<16xi32>
      %and3A_116 = arith.andi %ge3A_113, %lt3A_115 : vector<16xi1>
      %jit3A_117 = arith.constant 8355840 : i32
      %broadcast_in_dim3A_118 = vector.broadcast %jit3A_117 : i32 to vector<16xi32>
      %select_n3A_119 = arith.select %and3A_116, %get3A_108, %broadcast_in_dim3A_118 : vector<16xi1>, vector<16xi32>
      %swap3A_120 = arith.index_cast %mul3A_105 : i32 to index
      %swap3A_121 = tpu.vector_load %arg11[%swap3A_120] {strides = array<i32>} : memref<8192xi32, #tpu.memory_space<vmem>>, vector<16xi32>,
      %swap3A_122 = vector.shape_cast %swap3A_121 : vector<16xi32> to vector<16xi32>
      %swap3A_123 = vector.shape_cast %select_n3A_119 : vector<16xi32> to vector<16xi32>
      tpu.vector_store %arg11[%swap3A_120], %swap3A_123 {strides = array<i32>} : memref<8192xi32, #tpu.memory_space<vmem>>, vector<16xi32>,
      %get3A_124 = arith.index_cast %mul3A_105 : i32 to index
      %get3A_125 = tpu.vector_load %arg12[%get3A_124] {strides = array<i32>} : memref<8192xi32, #tpu.memory_space<vmem>>, vector<16xi32>,
      %get3A_126 = vector.shape_cast %get3A_125 : vector<16xi32> to vector<16xi32>
      %jit3A_127 = arith.constant 2088960 : i32
      %broadcast_in_dim3A_128 = vector.broadcast %jit3A_127 : i32 to vector<16xi32>
      %select_n3A_129 = arith.select %and3A_116, %get3A_126, %broadcast_in_dim3A_128 : vector<16xi1>, vector<16xi32>
      %swap3A_130 = arith.index_cast %mul3A_105 : i32 to index
      %swap3A_131 = tpu.vector_load %arg12[%swap3A_130] {strides = array<i32>} : memref<8192xi32, #tpu.memory_space<vmem>>, vector<16xi32>,
      %swap3A_132 = vector.shape_cast %swap3A_131 : vector<16xi32> to vector<16xi32>
      %swap3A_133 = vector.shape_cast %select_n3A_129 : vector<16xi32> to vector<16xi32>
      tpu.vector_store %arg12[%swap3A_130], %swap3A_133 {strides = array<i32>} : memref<8192xi32, #tpu.memory_space<vmem>>, vector<16xi32>,
      %scan3A_134 = arith.constant 3 : i32
      %scan3A_135 = arith.addi %scan3A_47, %scan3A_134 : i32
      %mul3A_136 = arith.constant 16 : i32
      %mul3A_137 = arith.muli %scan3A_135, %mul3A_136 : i32
      %get3A_138 = arith.index_cast %mul3A_137 : i32 to index
      %get3A_139 = tpu.vector_load %arg11[%get3A_138] {strides = array<i32>} : memref<8192xi32, #tpu.memory_space<vmem>>, vector<16xi32>,
      %get3A_140 = vector.shape_cast %get3A_139 : vector<16xi32> to vector<16xi32>
      %shift_right_arithmetic3A_141 = arith.constant 10 : i32
      %shift_right_arithmetic3A_142 = vector.broadcast %shift_right_arithmetic3A_141 : i32 to vector<16xi32>
      %shift_right_arithmetic3A_143 = arith.shrsi %get3A_140, %shift_right_arithmetic3A_142 : vector<16xi32>
      %ge3A_144 = vector.broadcast %mul3A_26 : i32 to vector<16xi32>
      %ge3A_145 = arith.cmpi sge, %shift_right_arithmetic3A_143, %ge3A_144 : vector<16xi32>
      %lt3A_146 = vector.broadcast %add3A_28 : i32 to vector<16xi32>
      %lt3A_147 = arith.cmpi slt, %shift_right_arithmetic3A_143, %lt3A_146 : vector<16xi32>
      %and3A_148 = arith.andi %ge3A_145, %lt3A_147 : vector<16xi1>
      %jit3A_149 = arith.constant 8355840 : i32
      %broadcast_in_dim3A_150 = vector.broadcast %jit3A_149 : i32 to vector<16xi32>
      %select_n3A_151 = arith.select %and3A_148, %get3A_140, %broadcast_in_dim3A_150 : vector<16xi1>, vector<16xi32>
      %swap3A_152 = arith.index_cast %mul3A_137 : i32 to index
      %swap3A_153 = tpu.vector_load %arg11[%swap3A_152] {strides = array<i32>} : memref<8192xi32, #tpu.memory_space<vmem>>, vector<16xi32>,
      %swap3A_154 = vector.shape_cast %swap3A_153 : vector<16xi32> to vector<16xi32>
      %swap3A_155 = vector.shape_cast %select_n3A_151 : vector<16xi32> to vector<16xi32>
      tpu.vector_store %arg11[%swap3A_152], %swap3A_155 {strides = array<i32>} : memref<8192xi32, #tpu.memory_space<vmem>>, vector<16xi32>,
      %get3A_156 = arith.index_cast %mul3A_137 : i32 to index
      %get3A_157 = tpu.vector_load %arg12[%get3A_156] {strides = array<i32>} : memref<8192xi32, #tpu.memory_space<vmem>>, vector<16xi32>,
      %get3A_158 = vector.shape_cast %get3A_157 : vector<16xi32> to vector<16xi32>
      %jit3A_159 = arith.constant 2088960 : i32
      %broadcast_in_dim3A_160 = vector.broadcast %jit3A_159 : i32 to vector<16xi32>
      %select_n3A_161 = arith.select %and3A_148, %get3A_158, %broadcast_in_dim3A_160 : vector<16xi1>, vector<16xi32>
      %swap3A_162 = arith.index_cast %mul3A_137 : i32 to index
      %swap3A_163 = tpu.vector_load %arg12[%swap3A_162] {strides = array<i32>} : memref<8192xi32, #tpu.memory_space<vmem>>, vector<16xi32>,
      %swap3A_164 = vector.shape_cast %swap3A_163 : vector<16xi32> to vector<16xi32>
      %swap3A_165 = vector.shape_cast %select_n3A_161 : vector<16xi32> to vector<16xi32>
      tpu.vector_store %arg12[%swap3A_162], %swap3A_165 {strides = array<i32>} : memref<8192xi32, #tpu.memory_space<vmem>>, vector<16xi32>,
    }
    %scan3A_34 = arith.constant 512 : i32
    %scan3A_35 = arith.constant 0 : i32
    %scan3A_36 = arith.constant 0 : i32
    %scan3A_37 = arith.constant 20 : i32
    %scan3A_38 = arith.addi %scan3A_36, %scan3A_37 : i32
    %scan3A_39 = arith.constant 1 : i32
    scf.for %scan3A_47 = %scan3A_36 to %scan3A_38 step %scan3A_39  : i32 {
      %dma_wait3A_48 = arith.constant 0 : i32
      %dma_wait3A_49 = tpu.memref_slice %arg6[%dma_wait3A_48] : memref<8355848xf32, #tpu.memory_space<hbm>> -> memref<16320xf32, #tpu.memory_space<hbm>>
      %dma_wait3A_50 = arith.constant 0 : i32
      %dma_wait3A_51 = tpu.memref_slice %arg6[%dma_wait3A_50] : memref<8355848xf32, #tpu.memory_space<hbm>> -> memref<16320xf32, #tpu.memory_space<hbm>>
      tpu.wait_dma2 semaphore(%arg14 : memref<!tpu.dma_semaphore, #tpu.memory_space<semaphore_mem>>) src(%dma_wait3A_51 : memref<16320xf32, #tpu.memory_space<hbm>>) dst(%arg8 : memref<16320xf32, #tpu.memory_space<vmem>>)
    }
    %scan3A_40 = arith.constant 20 : i32
    %dma_start3A = arith.constant 0 : i32
    %dma_start3A_41 = tpu.memref_slice %arg6[%dma_start3A] : memref<8355848xf32, #tpu.memory_space<hbm>> -> memref<8355848xf32, #tpu.memory_space<hbm>>
    tpu.enqueue_indirect_dma source(%arg10 : memref<8192xf32, #tpu.memory_space<vmem>>) target(%dma_start3A_41 : memref<8355848xf32, #tpu.memory_space<hbm>>) offsets(%arg11 : memref<8192xi32, #tpu.memory_space<vmem>>) semaphore(%arg15 : memref<!tpu.dma_semaphore, #tpu.memory_space<semaphore_mem>>)
    %dma_start3A_42 = arith.constant 0 : i32
    %dma_start3A_43 = tpu.memref_slice %arg7[%dma_start3A_42] : memref<2088968xi32, #tpu.memory_space<hbm>> -> memref<2088968xi32, #tpu.memory_space<hbm>>
    tpu.enqueue_indirect_dma source(%arg13 : memref<8192xi32, #tpu.memory_space<vmem>>) target(%dma_start3A_43 : memref<2088968xi32, #tpu.memory_space<hbm>>) offsets(%arg12 : memref<8192xi32, #tpu.memory_space<vmem>>) semaphore(%arg15 : memref<!tpu.dma_semaphore, #tpu.memory_space<semaphore_mem>>)
    %dma_wait3A = arith.constant 0 : i32
    %dma_wait3A_44 = tpu.memref_slice %arg6[%dma_wait3A] : memref<8355848xf32, #tpu.memory_space<hbm>> -> memref<8355848xf32, #tpu.memory_space<hbm>>
    tpu.wait_indirect_dma semaphore(%arg15 : memref<!tpu.dma_semaphore, #tpu.memory_space<semaphore_mem>>) src(%arg10 : memref<8192xf32, #tpu.memory_space<vmem>>) dst(%dma_wait3A_44 : memref<8355848xf32, #tpu.memory_space<hbm>>)
    %dma_wait3A_45 = arith.constant 0 : i32
    %dma_wait3A_46 = tpu.memref_slice %arg7[%dma_wait3A_45] : memref<2088968xi32, #tpu.memory_space<hbm>> -> memref<2088968xi32, #tpu.memory_space<hbm>>
    tpu.wait_indirect_dma semaphore(%arg15 : memref<!tpu.dma_semaphore, #tpu.memory_space<semaphore_mem>>) src(%arg13 : memref<8192xi32, #tpu.memory_space<vmem>>) dst(%dma_wait3A_46 : memref<2088968xi32, #tpu.memory_space<hbm>>)
    return
  }
}

module attributes {stable_mosaic.version = 14 : i64} {
  func.func @_router_body(%arg0: i32, %arg1: i32, %arg2: memref<1x1xi32, #tpu.memory_space<smem>>, %arg3: memref<1x256x2048xbf16, #tpu.memory_space<vmem>>, %arg4: memref<2048x8xbf16, #tpu.memory_space<vmem>>, %arg5: memref<1x8xf32, #tpu.memory_space<vmem>>, %arg6: memref<1x4x128xf32, #tpu.memory_space<vmem>>, %arg7: memref<1x4x128xi32, #tpu.memory_space<vmem>>, %arg8: memref<1x4x128xi32, #tpu.memory_space<vmem>>, %arg9: memref<1x4x128xi32, #tpu.memory_space<vmem>>, %arg10: memref<1x16xf32, #tpu.memory_space<vmem>>) attributes {dimension_semantics = [#tpu.dimension_semantics<arbitrary>, #tpu.dimension_semantics<arbitrary>], iteration_bounds = array<i64: 2, 8>, scalar_prefetch = 0 : i64, scratch_operands = 1 : i64, tpu.core_type = #tpu.core_type<tc>, window_params = [{transform_indices = @transform_0, window_bounds = array<i64: 1, 1>}, {transform_indices = @transform_1, window_bounds = array<i64: 1, 256, 2048>}, {pipeline_mode = #tpu.pipeline_mode<synchronous>, transform_indices = @transform_2, window_bounds = array<i64: 2048, 8>}, {pipeline_mode = #tpu.pipeline_mode<synchronous>, transform_indices = @transform_3, window_bounds = array<i64: 1, 8>}, {transform_indices = @transform_4, window_bounds = array<i64: 1, 4, 128>}, {transform_indices = @transform_5, window_bounds = array<i64: 1, 4, 128>}, {transform_indices = @transform_6, window_bounds = array<i64: 1, 4, 128>}, {transform_indices = @transform_7, window_bounds = array<i64: 1, 4, 128>}]} {
    %eq3A = arith.constant 0 : i32
    %eq3A_0 = arith.cmpi eq, %arg1, %eq3A : i32
    %convert_element_type3A = arith.extui %eq3A_0 : i1 to i32
    %cond3A = arith.constant 0 : i32
    %cond3A_1 = arith.cmpi ne, %convert_element_type3A, %cond3A : i32
    scf.if %cond3A_1 {
      %broadcast_in_dim3A_264 = arith.constant 0.000000e+00 : f32
      %broadcast_in_dim3A_265 = vector.broadcast %broadcast_in_dim3A_264 : f32 to vector<1x16xf32>
      %swap3A_266 = arith.constant 0 : index
      %swap3A_267 = arith.constant 0 : index
      %swap3A_268 = vector.load %arg10[%swap3A_266, %swap3A_267] : memref<1x16xf32, #tpu.memory_space<vmem>>, vector<1x16xf32>
      tpu.vector_store %arg10[%swap3A_266, %swap3A_267], %broadcast_in_dim3A_265 {strides = array<i32>} : memref<1x16xf32, #tpu.memory_space<vmem>>, vector<1x16xf32>,
    } else {
    }
    %get3A = arith.constant 0 : index
    %get3A_2 = arith.constant 0 : index
    %get3A_3 = arith.constant 0 : index
    %get3A_4 = vector.load %arg3[%get3A, %get3A_2, %get3A_3] : memref<1x256x2048xbf16, #tpu.memory_space<vmem>>, vector<1x256x2048xbf16>
    %get3A_5 = vector.shape_cast %get3A_4 : vector<1x256x2048xbf16> to vector<256x2048xbf16>
    %get3A_6 = arith.constant 0 : index
    %get3A_7 = arith.constant 0 : index
    %get3A_8 = vector.load %arg4[%get3A_6, %get3A_7] : memref<2048x8xbf16, #tpu.memory_space<vmem>>, vector<2048x8xbf16>
    %get3A_9 = arith.constant 0 : index
    %get3A_10 = arith.constant 0 : index
    %get3A_11 = vector.load %arg5[%get3A_9, %get3A_10] : memref<1x8xf32, #tpu.memory_space<vmem>>, vector<1x8xf32>
    %dot_general3A = arith.constant dense<0.000000e+00> : vector<256x8xf32>
    %dot_general3A_12 = tpu.matmul %get3A_5, %get3A_8, %dot_general3A {dimension_numbers = #tpu.dot_dimension_numbers<[1], [0], [0], [1], [0, 0, 1, 1], [], []>, transpose_lhs_hint = false} : vector<256x2048xbf16>, vector<2048x8xbf16>, vector<256x8xf32> -> vector<256x8xf32>
    %add3A = vector.broadcast %get3A_11 : vector<1x8xf32> to vector<256x8xf32>
    %add3A_13 = arith.addf %dot_general3A_12, %add3A : vector<256x8xf32>
    %reduce_max3A = arith.constant dense<0xFF800000> : vector<256xf32>
    %reduce_max3A_14 = vector.multi_reduction <maximumf>, %add3A_13, %reduce_max3A [1] : vector<256x8xf32> to vector<256xf32>
    %broadcast_in_dim3A = vector.shape_cast %reduce_max3A_14 : vector<256xf32> to vector<256x1xf32>
    %sub3A = vector.broadcast %broadcast_in_dim3A : vector<256x1xf32> to vector<256x8xf32>
    %sub3A_15 = arith.subf %add3A_13, %sub3A : vector<256x8xf32>
    %exp3A = math.exp %sub3A_15 : vector<256x8xf32>
    %reduce_sum3A = arith.constant dense<0.000000e+00> : vector<256xf32>
    %reduce_sum3A_16 = vector.multi_reduction <add>, %exp3A, %reduce_sum3A [1] : vector<256x8xf32> to vector<256xf32>
    %broadcast_in_dim3A_17 = vector.shape_cast %reduce_sum3A_16 : vector<256xf32> to vector<256x1xf32>
    %div3A = vector.broadcast %broadcast_in_dim3A_17 : vector<256x1xf32> to vector<256x8xf32>
    %div3A_18 = arith.divf %exp3A, %div3A : vector<256x8xf32>
    %bitcast_convert_type3A = tpu.bitcast %div3A_18 : vector<256x8xf32> -> vector<256x8xi32>
    %and3A = arith.constant -65536 : i32
    %and3A_19 = vector.broadcast %and3A : i32 to vector<256x8xi32>
    %and3A_20 = arith.andi %bitcast_convert_type3A, %and3A_19 : vector<256x8xi32>
    %bitcast_convert_type3A_21 = tpu.bitcast %and3A_20 : vector<256x8xi32> -> vector<256x8xf32>
    %iota3A = tpu.iota {dimensions = array<i32: 1>} : vector<256x8xi32>
    %reduce_max3A_22 = arith.constant dense<0xFF800000> : vector<256xf32>
    %reduce_max3A_23 = vector.multi_reduction <maximumf>, %bitcast_convert_type3A_21, %reduce_max3A_22 [1] : vector<256x8xf32> to vector<256xf32>
    %broadcast_in_dim3A_24 = vector.shape_cast %reduce_max3A_23 : vector<256xf32> to vector<256x1xf32>
    %sub3A_25 = vector.broadcast %broadcast_in_dim3A_24 : vector<256x1xf32> to vector<256x8xf32>
    %sub3A_26 = arith.subf %bitcast_convert_type3A_21, %sub3A_25 : vector<256x8xf32>
    %eq3A_27 = arith.constant 0.000000e+00 : f32
    %eq3A_28 = vector.broadcast %eq3A_27 : f32 to vector<256x8xf32>
    %eq3A_29 = arith.cmpf oeq, %sub3A_26, %eq3A_28 : vector<256x8xf32>
    %convert_element_type3A_30 = arith.extui %eq3A_29 : vector<256x8xi1> to vector<256x8xi32>
    %mul3A = arith.muli %iota3A, %convert_element_type3A_30 : vector<256x8xi32>
    %sub3A_31 = arith.constant 1 : i32
    %sub3A_32 = vector.broadcast %sub3A_31 : i32 to vector<256x8xi32>
    %sub3A_33 = arith.subi %sub3A_32, %convert_element_type3A_30 : vector<256x8xi32>
    %mul3A_34 = arith.constant 8 : i32
    %mul3A_35 = vector.broadcast %mul3A_34 : i32 to vector<256x8xi32>
    %mul3A_36 = arith.muli %mul3A_35, %sub3A_33 : vector<256x8xi32>
    %add3A_37 = arith.addi %mul3A, %mul3A_36 : vector<256x8xi32>
    %reduce_min3A = arith.constant dense<2147483647> : vector<256xi32>
    %reduce_min3A_38 = vector.multi_reduction <minsi>, %add3A_37, %reduce_min3A [1] : vector<256x8xi32> to vector<256xi32>
    %broadcast_in_dim3A_39 = vector.shape_cast %reduce_min3A_38 : vector<256xi32> to vector<256x1xi32>
    %sub3A_40 = vector.broadcast %broadcast_in_dim3A_39 : vector<256x1xi32> to vector<256x8xi32>
    %sub3A_41 = arith.subi %iota3A, %sub3A_40 : vector<256x8xi32>
    %eq3A_42 = arith.constant 0 : i32
    %eq3A_43 = vector.broadcast %eq3A_42 : i32 to vector<256x8xi32>
    %eq3A_44 = arith.cmpi eq, %sub3A_41, %eq3A_43 : vector<256x8xi32>
    %jit3A = arith.constant 0xFF800000 : f32
    %broadcast_in_dim3A_45 = vector.broadcast %jit3A : f32 to vector<256x8xf32>
    %select_n3A = arith.select %eq3A_44, %broadcast_in_dim3A_45, %bitcast_convert_type3A_21 : vector<256x8xi1>, vector<256x8xf32>
    %reduce_max3A_46 = arith.constant dense<0xFF800000> : vector<256xf32>
    %reduce_max3A_47 = vector.multi_reduction <maximumf>, %select_n3A, %reduce_max3A_46 [1] : vector<256x8xf32> to vector<256xf32>
    %broadcast_in_dim3A_48 = vector.shape_cast %reduce_max3A_47 : vector<256xf32> to vector<256x1xf32>
    %sub3A_49 = vector.broadcast %broadcast_in_dim3A_48 : vector<256x1xf32> to vector<256x8xf32>
    %sub3A_50 = arith.subf %select_n3A, %sub3A_49 : vector<256x8xf32>
    %eq3A_51 = arith.constant 0.000000e+00 : f32
    %eq3A_52 = vector.broadcast %eq3A_51 : f32 to vector<256x8xf32>
    %eq3A_53 = arith.cmpf oeq, %sub3A_50, %eq3A_52 : vector<256x8xf32>
    %convert_element_type3A_54 = arith.extui %eq3A_53 : vector<256x8xi1> to vector<256x8xi32>
    %mul3A_55 = arith.muli %iota3A, %convert_element_type3A_54 : vector<256x8xi32>
    %sub3A_56 = arith.constant 1 : i32
    %sub3A_57 = vector.broadcast %sub3A_56 : i32 to vector<256x8xi32>
    %sub3A_58 = arith.subi %sub3A_57, %convert_element_type3A_54 : vector<256x8xi32>
    %mul3A_59 = arith.constant 8 : i32
    %mul3A_60 = vector.broadcast %mul3A_59 : i32 to vector<256x8xi32>
    %mul3A_61 = arith.muli %mul3A_60, %sub3A_58 : vector<256x8xi32>
    %add3A_62 = arith.addi %mul3A_55, %mul3A_61 : vector<256x8xi32>
    %reduce_min3A_63 = arith.constant dense<2147483647> : vector<256xi32>
    %reduce_min3A_64 = vector.multi_reduction <minsi>, %add3A_62, %reduce_min3A_63 [1] : vector<256x8xi32> to vector<256xi32>
    %broadcast_in_dim3A_65 = vector.shape_cast %reduce_min3A_64 : vector<256xi32> to vector<256x1xi32>
    %sub3A_66 = vector.broadcast %broadcast_in_dim3A_65 : vector<256x1xi32> to vector<256x8xi32>
    %sub3A_67 = arith.subi %iota3A, %sub3A_66 : vector<256x8xi32>
    %eq3A_68 = arith.constant 0 : i32
    %eq3A_69 = vector.broadcast %eq3A_68 : i32 to vector<256x8xi32>
    %eq3A_70 = arith.cmpi eq, %sub3A_67, %eq3A_69 : vector<256x8xi32>
    %convert_element_type3A_71 = arith.extui %eq3A_44 : vector<256x8xi1> to vector<256x8xi32>
    %convert_element_type3A_72 = arith.sitofp %convert_element_type3A_71 : vector<256x8xi32> to vector<256x8xf32>
    %convert_element_type3A_73 = arith.extui %eq3A_70 : vector<256x8xi1> to vector<256x8xi32>
    %convert_element_type3A_74 = arith.sitofp %convert_element_type3A_73 : vector<256x8xi32> to vector<256x8xf32>
    %concatenate3A = tpu.concatenate %convert_element_type3A_72, %convert_element_type3A_74 in 1 : vector<256x8xf32>, vector<256x8xf32> -> vector<256x16xf32>
    %iota3A_75 = tpu.iota {dimensions = array<i32: 0>} : vector<256x256xi32>
    %iota3A_76 = tpu.iota {dimensions = array<i32: 1>} : vector<256x256xi32>
    %le3A = arith.cmpi sle, %iota3A_76, %iota3A_75 : vector<256x256xi32>
    %convert_element_type3A_77 = arith.extui %le3A : vector<256x256xi1> to vector<256x256xi32>
    %convert_element_type3A_78 = arith.sitofp %convert_element_type3A_77 : vector<256x256xi32> to vector<256x256xf32>
    %dot_general3A_79 = arith.constant dense<0.000000e+00> : vector<256x16xf32>
    %dot_general3A_80 = tpu.matmul %convert_element_type3A_78, %concatenate3A, %dot_general3A_79 {dimension_numbers = #tpu.dot_dimension_numbers<[1], [0], [0], [1], [0, 0, 1, 1], [], []>, transpose_lhs_hint = false} : vector<256x256xf32>, vector<256x16xf32>, vector<256x16xf32> -> vector<256x16xf32>
    %get3A_81 = arith.constant 0 : index
    %get3A_82 = arith.constant 0 : index
    %get3A_83 = vector.load %arg10[%get3A_81, %get3A_82] : memref<1x16xf32, #tpu.memory_space<vmem>>, vector<1x16xf32>
    %add3A_84 = vector.broadcast %get3A_83 : vector<1x16xf32> to vector<256x16xf32>
    %add3A_85 = arith.addf %dot_general3A_80, %add3A_84 : vector<256x16xf32>
    %slice3A = vector.extract_strided_slice %add3A_85 {offsets = [255, 0], sizes = [1, 16], strides = [1, 1]} : vector<256x16xf32> to vector<1x16xf32>
    %swap3A = arith.constant 0 : index
    %swap3A_86 = arith.constant 0 : index
    %swap3A_87 = vector.load %arg10[%swap3A, %swap3A_86] : memref<1x16xf32, #tpu.memory_space<vmem>>, vector<1x16xf32>
    tpu.vector_store %arg10[%swap3A, %swap3A_86], %slice3A {strides = array<i32>} : memref<1x16xf32, #tpu.memory_space<vmem>>, vector<1x16xf32>,
    %slice3A_88 = vector.extract_strided_slice %add3A_85 {offsets = [0, 0], sizes = [256, 8], strides = [1, 1]} : vector<256x16xf32> to vector<256x8xf32>
    %mul3A_89 = arith.mulf %slice3A_88, %convert_element_type3A_72 : vector<256x8xf32>
    %reduce_sum3A_90 = arith.constant dense<0.000000e+00> : vector<256xf32>
    %reduce_sum3A_91 = vector.multi_reduction <add>, %mul3A_89, %reduce_sum3A_90 [1] : vector<256x8xf32> to vector<256xf32>
    %broadcast_in_dim3A_92 = vector.shape_cast %reduce_sum3A_91 : vector<256xf32> to vector<256x1xf32>
    %convert_element_type3A_93 = arith.fptosi %broadcast_in_dim3A_92 : vector<256x1xf32> to vector<256x1xi32>
    %slice3A_94 = vector.extract_strided_slice %add3A_85 {offsets = [0, 8], sizes = [256, 8], strides = [1, 1]} : vector<256x16xf32> to vector<256x8xf32>
    %mul3A_95 = arith.mulf %slice3A_94, %convert_element_type3A_74 : vector<256x8xf32>
    %reduce_sum3A_96 = arith.constant dense<0.000000e+00> : vector<256xf32>
    %reduce_sum3A_97 = vector.multi_reduction <add>, %mul3A_95, %reduce_sum3A_96 [1] : vector<256x8xf32> to vector<256xf32>
    %broadcast_in_dim3A_98 = vector.shape_cast %reduce_sum3A_97 : vector<256xf32> to vector<256x1xf32>
    %convert_element_type3A_99 = arith.fptosi %broadcast_in_dim3A_98 : vector<256x1xf32> to vector<256x1xi32>
    %get3A_100 = arith.constant 0 : index
    %get3A_101 = arith.constant 0 : index
    %get3A_102 = memref.load %arg2[%get3A_100, %get3A_101] : memref<1x1xi32, #tpu.memory_space<smem>>
    %min3A = arith.constant 256 : i32
    %min3A_103 = arith.minsi %min3A, %get3A_102 : i32
    %le3A_104 = arith.constant 255 : i32
    %le3A_105 = vector.broadcast %le3A_104 : i32 to vector<256x1xi32>
    %le3A_106 = arith.cmpi sle, %convert_element_type3A_93, %le3A_105 : vector<256x1xi32>
    %lt3A = vector.broadcast %min3A_103 : i32 to vector<256x1xi32>
    %lt3A_107 = arith.cmpi slt, %convert_element_type3A_93, %lt3A : vector<256x1xi32>
    %and3A_108 = arith.andi %le3A_106, %lt3A_107 : vector<256x1xi1>
    %le3A_109 = arith.constant 255 : i32
    %le3A_110 = vector.broadcast %le3A_109 : i32 to vector<256x1xi32>
    %le3A_111 = arith.cmpi sle, %convert_element_type3A_99, %le3A_110 : vector<256x1xi32>
    %lt3A_112 = vector.broadcast %min3A_103 : i32 to vector<256x1xi32>
    %lt3A_113 = arith.cmpi slt, %convert_element_type3A_99, %lt3A_112 : vector<256x1xi32>
    %and3A_114 = arith.andi %le3A_111, %lt3A_113 : vector<256x1xi1>
    %iota3A_115 = tpu.iota {dimensions = array<i32: 0>} : vector<256x1xi32>
    %mul3A_116 = arith.constant 2 : i32
    %mul3A_117 = arith.muli %arg1, %mul3A_116 : i32
    %shift_right_arithmetic3A = arith.constant 7 : i32
    %shift_right_arithmetic3A_118 = vector.broadcast %shift_right_arithmetic3A : i32 to vector<256x1xi32>
    %shift_right_arithmetic3A_119 = arith.shrsi %iota3A_115, %shift_right_arithmetic3A_118 : vector<256x1xi32>
    %add3A_120 = vector.broadcast %mul3A_117 : i32 to vector<256x1xi32>
    %add3A_121 = arith.addi %add3A_120, %shift_right_arithmetic3A_119 : vector<256x1xi32>
    %and3A_122 = arith.constant 127 : i32
    %and3A_123 = vector.broadcast %and3A_122 : i32 to vector<256x1xi32>
    %and3A_124 = arith.andi %iota3A_115, %and3A_123 : vector<256x1xi32>
    %mul3A_125 = arith.constant 255 : i32
    %mul3A_126 = arith.muli %arg0, %mul3A_125 : i32
    %add3A_127 = vector.broadcast %mul3A_126 : i32 to vector<256x1xi32>
    %add3A_128 = arith.addi %add3A_127, %convert_element_type3A_93 : vector<256x1xi32>
    %sub3A_129 = arith.constant 1 : i32
    %sub3A_130 = vector.broadcast %sub3A_129 : i32 to vector<256x1xi32>
    %sub3A_131 = arith.subi %add3A_128, %sub3A_130 : vector<256x1xi32>
    %mul3A_132 = arith.constant 16 : i32
    %mul3A_133 = vector.broadcast %mul3A_132 : i32 to vector<256x1xi32>
    %mul3A_134 = arith.muli %sub3A_131, %mul3A_133 : vector<256x1xi32>
    %add3A_135 = arith.addi %mul3A_134, %add3A_121 : vector<256x1xi32>
    %mul3A_136 = arith.constant 255 : i32
    %mul3A_137 = arith.muli %arg0, %mul3A_136 : i32
    %add3A_138 = vector.broadcast %mul3A_137 : i32 to vector<256x1xi32>
    %add3A_139 = arith.addi %add3A_138, %convert_element_type3A_99 : vector<256x1xi32>
    %sub3A_140 = arith.constant 1 : i32
    %sub3A_141 = vector.broadcast %sub3A_140 : i32 to vector<256x1xi32>
    %sub3A_142 = arith.subi %add3A_139, %sub3A_141 : vector<256x1xi32>
    %mul3A_143 = arith.constant 16 : i32
    %mul3A_144 = vector.broadcast %mul3A_143 : i32 to vector<256x1xi32>
    %mul3A_145 = arith.muli %sub3A_142, %mul3A_144 : vector<256x1xi32>
    %add3A_146 = arith.addi %mul3A_145, %add3A_121 : vector<256x1xi32>
    %mul3A_147 = arith.constant 1024 : i32
    %mul3A_148 = vector.broadcast %mul3A_147 : i32 to vector<256x1xi32>
    %mul3A_149 = arith.muli %add3A_135, %mul3A_148 : vector<256x1xi32>
    %mul3A_150 = arith.constant 128 : i32
    %mul3A_151 = vector.broadcast %mul3A_150 : i32 to vector<256x1xi32>
    %mul3A_152 = arith.muli %broadcast_in_dim3A_39, %mul3A_151 : vector<256x1xi32>
    %add3A_153 = arith.addi %mul3A_149, %mul3A_152 : vector<256x1xi32>
    %add3A_154 = arith.addi %add3A_153, %and3A_124 : vector<256x1xi32>
    %jit3A_155 = arith.constant 8355840 : i32
    %broadcast_in_dim3A_156 = vector.broadcast %jit3A_155 : i32 to vector<256x1xi32>
    %select_n3A_157 = arith.select %and3A_108, %add3A_154, %broadcast_in_dim3A_156 : vector<256x1xi1>, vector<256x1xi32>
    %mul3A_158 = arith.constant 1024 : i32
    %mul3A_159 = vector.broadcast %mul3A_158 : i32 to vector<256x1xi32>
    %mul3A_160 = arith.muli %add3A_146, %mul3A_159 : vector<256x1xi32>
    %mul3A_161 = arith.constant 128 : i32
    %mul3A_162 = vector.broadcast %mul3A_161 : i32 to vector<256x1xi32>
    %mul3A_163 = arith.muli %broadcast_in_dim3A_65, %mul3A_162 : vector<256x1xi32>
    %add3A_164 = arith.addi %mul3A_160, %mul3A_163 : vector<256x1xi32>
    %add3A_165 = arith.addi %add3A_164, %and3A_124 : vector<256x1xi32>
    %jit3A_166 = arith.constant 8355840 : i32
    %broadcast_in_dim3A_167 = vector.broadcast %jit3A_166 : i32 to vector<256x1xi32>
    %select_n3A_168 = arith.select %and3A_114, %add3A_165, %broadcast_in_dim3A_167 : vector<256x1xi1>, vector<256x1xi32>
    %mul3A_169 = arith.constant 256 : i32
    %mul3A_170 = vector.broadcast %mul3A_169 : i32 to vector<256x1xi32>
    %mul3A_171 = arith.muli %add3A_135, %mul3A_170 : vector<256x1xi32>
    %shift_right_arithmetic3A_172 = arith.constant 2 : i32
    %shift_right_arithmetic3A_173 = vector.broadcast %shift_right_arithmetic3A_172 : i32 to vector<256x1xi32>
    %shift_right_arithmetic3A_174 = arith.shrsi %broadcast_in_dim3A_39, %shift_right_arithmetic3A_173 : vector<256x1xi32>
    %mul3A_175 = arith.constant 128 : i32
    %mul3A_176 = vector.broadcast %mul3A_175 : i32 to vector<256x1xi32>
    %mul3A_177 = arith.muli %shift_right_arithmetic3A_174, %mul3A_176 : vector<256x1xi32>
    %add3A_178 = arith.addi %mul3A_171, %mul3A_177 : vector<256x1xi32>
    %add3A_179 = arith.addi %add3A_178, %and3A_124 : vector<256x1xi32>
    %jit3A_180 = arith.constant 2088960 : i32
    %broadcast_in_dim3A_181 = vector.broadcast %jit3A_180 : i32 to vector<256x1xi32>
    %select_n3A_182 = arith.select %and3A_108, %add3A_179, %broadcast_in_dim3A_181 : vector<256x1xi1>, vector<256x1xi32>
    %mul3A_183 = arith.constant 256 : i32
    %mul3A_184 = vector.broadcast %mul3A_183 : i32 to vector<256x1xi32>
    %mul3A_185 = arith.muli %add3A_146, %mul3A_184 : vector<256x1xi32>
    %shift_right_arithmetic3A_186 = arith.constant 2 : i32
    %shift_right_arithmetic3A_187 = vector.broadcast %shift_right_arithmetic3A_186 : i32 to vector<256x1xi32>
    %shift_right_arithmetic3A_188 = arith.shrsi %broadcast_in_dim3A_65, %shift_right_arithmetic3A_187 : vector<256x1xi32>
    %mul3A_189 = arith.constant 128 : i32
    %mul3A_190 = vector.broadcast %mul3A_189 : i32 to vector<256x1xi32>
    %mul3A_191 = arith.muli %shift_right_arithmetic3A_188, %mul3A_190 : vector<256x1xi32>
    %add3A_192 = arith.addi %mul3A_185, %mul3A_191 : vector<256x1xi32>
    %add3A_193 = arith.addi %add3A_192, %and3A_124 : vector<256x1xi32>
    %jit3A_194 = arith.constant 2088960 : i32
    %broadcast_in_dim3A_195 = vector.broadcast %jit3A_194 : i32 to vector<256x1xi32>
    %select_n3A_196 = arith.select %and3A_114, %add3A_193, %broadcast_in_dim3A_195 : vector<256x1xi1>, vector<256x1xi32>
    %and3A_197 = arith.constant 3 : i32
    %and3A_198 = vector.broadcast %and3A_197 : i32 to vector<256x1xi32>
    %and3A_199 = arith.andi %broadcast_in_dim3A_39, %and3A_198 : vector<256x1xi32>
    %mul3A_200 = arith.constant 8 : i32
    %mul3A_201 = vector.broadcast %mul3A_200 : i32 to vector<256x1xi32>
    %mul3A_202 = arith.muli %mul3A_201, %and3A_199 : vector<256x1xi32>
    %shift_left3A = arith.constant 1 : i32
    %shift_left3A_203 = vector.broadcast %shift_left3A : i32 to vector<256x1xi32>
    %shift_left3A_204 = arith.shli %shift_left3A_203, %mul3A_202 : vector<256x1xi32>
    %and3A_205 = arith.constant 3 : i32
    %and3A_206 = vector.broadcast %and3A_205 : i32 to vector<256x1xi32>
    %and3A_207 = arith.andi %broadcast_in_dim3A_65, %and3A_206 : vector<256x1xi32>
    %mul3A_208 = arith.constant 8 : i32
    %mul3A_209 = vector.broadcast %mul3A_208 : i32 to vector<256x1xi32>
    %mul3A_210 = arith.muli %mul3A_209, %and3A_207 : vector<256x1xi32>
    %shift_left3A_211 = arith.constant 1 : i32
    %shift_left3A_212 = vector.broadcast %shift_left3A_211 : i32 to vector<256x1xi32>
    %shift_left3A_213 = arith.shli %shift_left3A_212, %mul3A_210 : vector<256x1xi32>
    %and3A_214 = arith.andi %and3A_108, %and3A_114 : vector<256x1xi1>
    %eq3A_215 = arith.cmpi eq, %select_n3A_182, %select_n3A_196 : vector<256x1xi32>
    %and3A_216 = arith.andi %and3A_214, %eq3A_215 : vector<256x1xi1>
    %or3A = arith.ori %shift_left3A_204, %shift_left3A_213 : vector<256x1xi32>
    %jit3A_217 = arith.constant 0 : i32
    %broadcast_in_dim3A_218 = vector.broadcast %jit3A_217 : i32 to vector<256x1xi32>
    %select_n3A_219 = arith.select %and3A_216, %or3A, %broadcast_in_dim3A_218 : vector<256x1xi1>, vector<256x1xi32>
    %select_n3A_220 = arith.select %and3A_216, %select_n3A_219, %shift_left3A_204 : vector<256x1xi1>, vector<256x1xi32>
    %select_n3A_221 = arith.select %and3A_216, %select_n3A_219, %shift_left3A_213 : vector<256x1xi1>, vector<256x1xi32>
    %transpose3A = tpu.transpose %broadcast_in_dim3A_24, [1, 0] : vector<256x1xf32> -> vector<1x256xf32>
    %reshape3A = vector.shape_cast %transpose3A : vector<1x256xf32> to vector<2x128xf32>
    %transpose3A_222 = tpu.transpose %broadcast_in_dim3A_48, [1, 0] : vector<256x1xf32> -> vector<1x256xf32>
    %reshape3A_223 = vector.shape_cast %transpose3A_222 : vector<1x256xf32> to vector<2x128xf32>
    %concatenate3A_224 = tpu.concatenate %reshape3A, %reshape3A_223 in 0 : vector<2x128xf32>, vector<2x128xf32> -> vector<4x128xf32>
    %swap3A_225 = arith.constant 0 : index
    %swap3A_226 = arith.constant 0 : index
    %swap3A_227 = arith.constant 0 : index
    %swap3A_228 = vector.load %arg6[%swap3A_225, %swap3A_226, %swap3A_227] : memref<1x4x128xf32, #tpu.memory_space<vmem>>, vector<1x4x128xf32>
    %swap3A_229 = vector.shape_cast %swap3A_228 : vector<1x4x128xf32> to vector<4x128xf32>
    %swap3A_230 = vector.shape_cast %concatenate3A_224 : vector<4x128xf32> to vector<1x4x128xf32>
    tpu.vector_store %arg6[%swap3A_225, %swap3A_226, %swap3A_227], %swap3A_230 {strides = array<i32>} : memref<1x4x128xf32, #tpu.memory_space<vmem>>, vector<1x4x128xf32>,
    %transpose3A_231 = tpu.transpose %select_n3A_157, [1, 0] : vector<256x1xi32> -> vector<1x256xi32>
    %reshape3A_232 = vector.shape_cast %transpose3A_231 : vector<1x256xi32> to vector<2x128xi32>
    %transpose3A_233 = tpu.transpose %select_n3A_168, [1, 0] : vector<256x1xi32> -> vector<1x256xi32>
    %reshape3A_234 = vector.shape_cast %transpose3A_233 : vector<1x256xi32> to vector<2x128xi32>
    %concatenate3A_235 = tpu.concatenate %reshape3A_232, %reshape3A_234 in 0 : vector<2x128xi32>, vector<2x128xi32> -> vector<4x128xi32>
    %swap3A_236 = arith.constant 0 : index
    %swap3A_237 = arith.constant 0 : index
    %swap3A_238 = arith.constant 0 : index
    %swap3A_239 = vector.load %arg7[%swap3A_236, %swap3A_237, %swap3A_238] : memref<1x4x128xi32, #tpu.memory_space<vmem>>, vector<1x4x128xi32>
    %swap3A_240 = vector.shape_cast %swap3A_239 : vector<1x4x128xi32> to vector<4x128xi32>
    %swap3A_241 = vector.shape_cast %concatenate3A_235 : vector<4x128xi32> to vector<1x4x128xi32>
    tpu.vector_store %arg7[%swap3A_236, %swap3A_237, %swap3A_238], %swap3A_241 {strides = array<i32>} : memref<1x4x128xi32, #tpu.memory_space<vmem>>, vector<1x4x128xi32>,
    %transpose3A_242 = tpu.transpose %select_n3A_182, [1, 0] : vector<256x1xi32> -> vector<1x256xi32>
    %reshape3A_243 = vector.shape_cast %transpose3A_242 : vector<1x256xi32> to vector<2x128xi32>
    %transpose3A_244 = tpu.transpose %select_n3A_196, [1, 0] : vector<256x1xi32> -> vector<1x256xi32>
    %reshape3A_245 = vector.shape_cast %transpose3A_244 : vector<1x256xi32> to vector<2x128xi32>
    %concatenate3A_246 = tpu.concatenate %reshape3A_243, %reshape3A_245 in 0 : vector<2x128xi32>, vector<2x128xi32> -> vector<4x128xi32>
    %swap3A_247 = arith.constant 0 : index
    %swap3A_248 = arith.constant 0 : index
    %swap3A_249 = arith.constant 0 : index
    %swap3A_250 = vector.load %arg8[%swap3A_247, %swap3A_248, %swap3A_249] : memref<1x4x128xi32, #tpu.memory_space<vmem>>, vector<1x4x128xi32>
    %swap3A_251 = vector.shape_cast %swap3A_250 : vector<1x4x128xi32> to vector<4x128xi32>
    %swap3A_252 = vector.shape_cast %concatenate3A_246 : vector<4x128xi32> to vector<1x4x128xi32>
    tpu.vector_store %arg8[%swap3A_247, %swap3A_248, %swap3A_249], %swap3A_252 {strides = array<i32>} : memref<1x4x128xi32, #tpu.memory_space<vmem>>, vector<1x4x128xi32>,
    %transpose3A_253 = tpu.transpose %select_n3A_220, [1, 0] : vector<256x1xi32> -> vector<1x256xi32>
    %reshape3A_254 = vector.shape_cast %transpose3A_253 : vector<1x256xi32> to vector<2x128xi32>
    %transpose3A_255 = tpu.transpose %select_n3A_221, [1, 0] : vector<256x1xi32> -> vector<1x256xi32>
    %reshape3A_256 = vector.shape_cast %transpose3A_255 : vector<1x256xi32> to vector<2x128xi32>
    %concatenate3A_257 = tpu.concatenate %reshape3A_254, %reshape3A_256 in 0 : vector<2x128xi32>, vector<2x128xi32> -> vector<4x128xi32>
    %swap3A_258 = arith.constant 0 : index
    %swap3A_259 = arith.constant 0 : index
    %swap3A_260 = arith.constant 0 : index
    %swap3A_261 = vector.load %arg9[%swap3A_258, %swap3A_259, %swap3A_260] : memref<1x4x128xi32, #tpu.memory_space<vmem>>, vector<1x4x128xi32>
    %swap3A_262 = vector.shape_cast %swap3A_261 : vector<1x4x128xi32> to vector<4x128xi32>
    %swap3A_263 = vector.shape_cast %concatenate3A_257 : vector<4x128xi32> to vector<1x4x128xi32>
    tpu.vector_store %arg9[%swap3A_258, %swap3A_259, %swap3A_260], %swap3A_263 {strides = array<i32>} : memref<1x4x128xi32, #tpu.memory_space<vmem>>, vector<1x4x128xi32>,
    return
  }
  func.func @transform_0(%arg0: i32, %arg1: i32) -> (i32, i32) {
    %c0_i32 = arith.constant 0 : i32
    %c0_i32_0 = arith.constant 0 : i32
    %c0_i32_1 = arith.constant 0 : i32
    return %c0_i32, %c0_i32_0 : i32, i32
  }
  func.func @transform_1(%arg0: i32, %arg1: i32) -> (i32, i32, i32) {
    %c0_i32 = arith.constant 0 : i32
    %c0_i32_0 = arith.constant 0 : i32
    return %arg0, %arg1, %c0_i32 : i32, i32, i32
  }
  func.func @transform_2(%arg0: i32, %arg1: i32) -> (i32, i32) {
    %c0_i32 = arith.constant 0 : i32
    %c0_i32_0 = arith.constant 0 : i32
    %c0_i32_1 = arith.constant 0 : i32
    return %c0_i32, %c0_i32_0 : i32, i32
  }
  func.func @transform_3(%arg0: i32, %arg1: i32) -> (i32, i32) {
    %c0_i32 = arith.constant 0 : i32
    %c0_i32_0 = arith.constant 0 : i32
    %c0_i32_1 = arith.constant 0 : i32
    return %c0_i32, %c0_i32_0 : i32, i32
  }
  func.func @transform_4(%arg0: i32, %arg1: i32) -> (i32, i32, i32) {
    %mul3A = arith.constant 8 : i32
    %mul3A_0 = arith.muli %arg0, %mul3A : i32
    %add3A = arith.addi %mul3A_0, %arg1 : i32
    %c0_i32 = arith.constant 0 : i32
    %c0_i32_1 = arith.constant 0 : i32
    %c0_i32_2 = arith.constant 0 : i32
    return %add3A, %c0_i32, %c0_i32_1 : i32, i32, i32
  }
  func.func @transform_5(%arg0: i32, %arg1: i32) -> (i32, i32, i32) {
    %mul3A = arith.constant 8 : i32
    %mul3A_0 = arith.muli %arg0, %mul3A : i32
    %add3A = arith.addi %mul3A_0, %arg1 : i32
    %c0_i32 = arith.constant 0 : i32
    %c0_i32_1 = arith.constant 0 : i32
    %c0_i32_2 = arith.constant 0 : i32
    return %add3A, %c0_i32, %c0_i32_1 : i32, i32, i32
  }
  func.func @transform_6(%arg0: i32, %arg1: i32) -> (i32, i32, i32) {
    %mul3A = arith.constant 8 : i32
    %mul3A_0 = arith.muli %arg0, %mul3A : i32
    %add3A = arith.addi %mul3A_0, %arg1 : i32
    %c0_i32 = arith.constant 0 : i32
    %c0_i32_1 = arith.constant 0 : i32
    %c0_i32_2 = arith.constant 0 : i32
    return %add3A, %c0_i32, %c0_i32_1 : i32, i32, i32
  }
  func.func @transform_7(%arg0: i32, %arg1: i32) -> (i32, i32, i32) {
    %mul3A = arith.constant 8 : i32
    %mul3A_0 = arith.muli %arg0, %mul3A : i32
    %add3A = arith.addi %mul3A_0, %arg1 : i32
    %c0_i32 = arith.constant 0 : i32
    %c0_i32_1 = arith.constant 0 : i32
    %c0_i32_2 = arith.constant 0 : i32
    return %add3A, %c0_i32, %c0_i32_1 : i32, i32, i32
  }
}

</mosaic_0001>

<sc_bundles>
// kernel: kernel.4.cloned.1.call-start
scs
__scs_entry_jumppad:
0x0: {  	(pc) =	sbr.rel $0x88, $3  }
0x1: {  	(tag) =	ssettag $0x0;
	lr =	simm.s32 $0x1  }
0x2: {  	[smem:$0x3F9D] =	sst lr;
	_ =	strace $0xD0000000  }
0x3: {  	_ = 	snop  }
0x4: {  	_ = 	snop  }
0x5: {  	_ = 	snop  }
0x6: {  	_ = 	snop  }
0x7: {  	_ = 	snop  }
__scs_overlays_trampoline_lowered:
0x8: {  	[smem:$0x3FAC] =	sst s0  }
0x9: {  	[smem:$0x3FAD] =	sst s1  }
0xa: {  	[smem:$0x3FAE] =	sst s2  }
0xb: {  	[smem:$0x3FAF] =	sst s3  }
0xc: {  	[smem:$0x3FB0] =	sst s4  }
0xd: {  	[smem:$0x3FB1] =	sst s5  }
0xe: {  	[smem:$0x3FB2] =	sst s6  }
0xf: {  	[smem:$0x3FB3] =	sst s7  }
0x10: {  	[smem:$0x3FB4] =	sst s8  }
0x11: {  	[smem:$0x3FB5] =	sst s9;
	s0 =	simm.s32 @!p0 $0x0  }
0x12: {  	s1 =	sld [smem:$0x3F9B];
	s0 =	simm.s32 @p0 $0x1  }
0x13: {  	[smem:$0x3FB6] =	sst s0;
	s0 =	simm.s32 @!p1 $0x0  }
0x14: {  	s2 =	sld [smem:$0x3F9A];
	s0 =	simm.s32 @p1 $0x1  }
0x15: {  	[smem:$0x3FB7] =	sst s0;
	s0 =	simm.s32 @!p2 $0x0  }
0x16: {  	s3 =	sld [smem:$0x3FDB];
	s0 =	simm.s32 @p2 $0x1  }
0x17: {  	s4 =	simm.s32 $0x1BF5;
	[smem:$0x3FB9] =	sst s0  }
0x18: {  	s0 =	sld [smem:$0x3F9C];
	_ =	swait.ge [sflag:s4], $0x0  }
0x19: {  	s7 =	sld [smem:$0x3F9D]  }
0x1a: {  	s8 =	sadd.s32 $0xFFFFE003, lr  }
0x1b: {  	s9 =	sadd.s32 $0xFFFFFEF7, lr;
	s5 =	simm.s32 $0xFFFFFFFF;
	p2 =	slt.u32 s8, $0xFFFFF086  }
0x1c: {  	p1 =	slt.u32 s9, $0xF7A;
	s5 =	simm.s32 @!p2 $0x0  }
0x1d: {  	s5 =	simm.s32 @p1 $0x1;
	p0 =	seq.s32 s7, s2  }
0x1e: {  	s7 =	smul.u32 @!p0 $0xF7A, s2;
	p2 =	seq.s32 @!p0 s5, $0x0  }
0x1f: {  	s9 =	smul.u32 $0xF7A, s1;
	s8 =	simm.s32 @!p0 $0x1BF5;
	p2 =	por !p2, p0  }
0x20: {  	[sflag:s8] =	ssyncset.s32 @!p0 $0xFFFFF086;
	s6 =	sadd.s32 @!p0 s3, s7;
	s7 =	simm.s32 @!p0 $0x108  }
0x21: {  	s3 =	sadd.s32 s3, s9;
	s6 =	sadd.s32 @!p0 $0x88, s6;
	s7 =	simm.s32 @p2 $0x1082  }
0x22: {  	[simem:s7], [sflag:s8] =	dma.local @!p0 [hbm:s6], $0xF7A  }
0x23: {  	s9 =	sor.u32 $0xD0000000, s2;
	s6 =	simm.s32 $0x108;
	_ =	swait.ge @!p0 [sflag:s8], $0x0  }
0x24: {  	s3 =	sadd.s32 $0x88, s3;
	s6 =	simm.s32 @!p1 $0x1082;
	[sflag:s4] =	ssyncset.s32 $0xFFFFF086  }
0x25: {  	[simem:s6], [sflag:s4] =	dma.local [hbm:s3], $0xF7A  }
0x26: {  	[smem:$0x3F9D] =	sst s1;
	(tag) =	ssettag s2;
	_ =	strace s9  }
0x27: {  	s1 =	sld [smem:$0x3FAD]  }
0x28: {  	s2 =	sld [smem:$0x3FAE]  }
0x29: {  	s4 =	sld [smem:$0x3FB0]  }
0x2a: {  	p0 =	seq.s32 s5, $0x0;
	s5 =	sld [smem:$0x3FB1]  }
0x2b: {  	s6 =	sld [smem:$0x3FB2]  }
0x2c: {  	s7 =	sld [smem:$0x3FB3]  }
0x2d: {  	s3 =	simm.s32 $0x108;
	s8 =	sld [smem:$0x3FB4]  }
0x2e: {  	s3 =	simm.s32 @!p0 $0x1082;
	s9 =	sld [smem:$0x3FB5]  }
0x2f: {  	lr =	sadd.s32 s0, s3;
	s0 =	sld [smem:$0x3FAC]  }
0x30: {  	s3 =	sld [smem:$0x3FAF]  }
0x31: {  	[smem:$0x3FB8] =	sst s10  }
0x32: {  	s10 =	sld [smem:$0x3FB6];
	_ =	sdelay $0x3  }
0x33: {  	p0 =	seq.s32 s10, $0x1;
	s10 =	sld [smem:$0x3FB8];
	_ =	sdelay $0x3  }
0x34: {  	[smem:$0x3FB8] =	sst s10  }
0x35: {  	s10 =	sld [smem:$0x3FB7];
	_ =	sdelay $0x3  }
0x36: {  	p1 =	seq.s32 s10, $0x1;
	s10 =	sld [smem:$0x3FB8];
	_ =	sdelay $0x3  }
0x37: {  	[smem:$0x3FB8] =	sst s10  }
0x38: {  	s10 =	sld [smem:$0x3FB9]  }
0x39: {  	_ = 	snop;
	(pc) =	sbr.ind lr, $3  }
0x3a: {  	_ = 	snop  }
0x3b: {  	_ = 	snop  }
0x3c: {  	p2 =	seq.s32 s10, $0x1;
	s10 =	sld [smem:$0x3FB8]  }
0x3d: {  	_ =	shalt  }
0x3e: {  	_ =	shalt  }
0x3f: {  	_ =	shalt  }
0x40: {  	_ =	shalt  }
0x41: {  	_ =	shalt  }
0x42: {  	_ =	shalt  }
0x43: {  	_ =	shalt  }
0x44: {  	_ =	shalt  }
0x45: {  	_ =	shalt  }
0x46: {  	_ =	shalt  }
0x47: {  	_ =	shalt  }
0x48: {  	_ =	shalt  }
0x49: {  	_ =	shalt  }
0x4a: {  	_ =	shalt  }
0x4b: {  	_ =	shalt  }
0x4c: {  	_ =	shalt  }
0x4d: {  	_ =	shalt  }
0x4e: {  	_ =	shalt  }
0x4f: {  	_ =	shalt  }
0x50: {  	_ =	shalt  }
0x51: {  	_ =	shalt  }
0x52: {  	_ =	shalt  }
0x53: {  	_ =	shalt  }
0x54: {  	_ =	shalt  }
0x55: {  	_ =	shalt  }
0x56: {  	_ =	shalt  }
0x57: {  	_ =	shalt  }
0x58: {  	_ =	shalt  }
0x59: {  	_ =	shalt  }
0x5a: {  	_ =	shalt  }
0x5b: {  	_ =	shalt  }
0x5c: {  	_ =	shalt  }
0x5d: {  	_ =	shalt  }
0x5e: {  	_ =	shalt  }
0x5f: {  	_ =	shalt  }
0x60: {  	_ =	shalt  }
0x61: {  	_ =	shalt  }
0x62: {  	_ =	shalt  }
0x63: {  	_ =	shalt  }
0x64: {  	_ =	shalt  }
0x65: {  	_ =	shalt  }
0x66: {  	_ =	shalt  }
0x67: {  	_ =	shalt  }
0x68: {  	_ =	shalt  }
0x69: {  	_ =	shalt  }
0x6a: {  	_ =	shalt  }
0x6b: {  	_ =	shalt  }
0x6c: {  	_ =	shalt  }
0x6d: {  	_ =	shalt  }
0x6e: {  	_ =	shalt  }
0x6f: {  	_ =	shalt  }
0x70: {  	_ =	shalt  }
0x71: {  	_ =	shalt  }
0x72: {  	_ =	shalt  }
0x73: {  	_ =	shalt  }
0x74: {  	_ =	shalt  }
0x75: {  	_ =	shalt  }
0x76: {  	_ =	shalt  }
0x77: {  	_ =	shalt  }
0x78: {  	_ =	shalt  }
0x79: {  	_ =	shalt  }
0x7a: {  	_ =	shalt  }
0x7b: {  	_ =	shalt  }
0x7c: {  	_ =	shalt  }
0x7d: {  	_ =	shalt  }
0x7e: {  	_ =	shalt  }
0x7f: {  	_ =	shalt  }
0x80: {  	_ =	shalt  }
0x81: {  	_ =	shalt  }
0x82: {  	_ =	shalt  }
0x83: {  	_ =	shalt  }
0x84: {  	_ =	shalt  }
0x85: {  	_ =	shalt  }
0x86: {  	_ =	shalt  }
0x87: {  	_ =	shalt  }
.Lfunc_end0:
.L_simem_size_0:
called_computation_lowered:
.L_overlay_start_0:
0x88: {  	s2 =	sld [smem:$0x3FD9]  }
0x89: {  	s3 =	sld [smem:$0x3FFE];
	_ =	sdelay $0x1  }
0x8a: {  	s1 =	srdreg.scid  }
0x8b: {  	s0 =	sand.u32 $0x1, s1  }
0x8c: {  	s14 =	sshll.u32 s0, $0xA;
	s2 =	sadd.s32 s3, s2  }
0x8d: {  	s2 =	sadd.s32 s2, s14  }
0x8e: {  	[smem:$0x3FC4] =	sst s2  }
0x8f: {  	_ = 	snop  }
0x90: {  	s2 =	sld [smem:$0x3FD0];
	_ =	sdelay $0x2  }
0x91: {  	s15 =	simm.s32 $0xA;
	s4 =	simm.s32 $0x10  }
0x92: {  	[smem:s4], [sflag:s15] =	dma.local [hbm:s2], $0x1  }
0x93: {  	_ =	swait.eq [sflag:s15], $0x1  }
0x94: {  	[sflag:s15] =	ssyncset.done $0x0  }
0x95: {  	s16 =	sld [smem:$0x10];
	[sflag:s15] =	ssyncadd.s32 $0xFFFFFFFF  }
0x96: {  	s17 =	sld [smem:$0x11];
	(tm) =	ssettm $0x1  }
0x97: {  	s18 =	sld [smem:$0x3FFB];
	_ =	sdelay $0x3  }
0x98: {  	_ =	strace s18  }
0x99: {  	s4 =	sld [smem:$0x3FFC];
	_ =	sdelay $0x3  }
0x9a: {  	_ =	strace s4  }
0x9b: {  	s4 =	sld [smem:$0x3FFD];
	_ =	sdelay $0x3  }
0x9c: {  	_ =	strace s4  }
0x9d: {  	_ =	strace $0x8FFFFFFF  }
0x9e: {  	s19 =	sld [smem:$0x3FDB];
	_ =	sdelay $0x1  }
0x9f: {  	s5 =	simm.s32 $_scs_section_size  }
0xa0: {  	s6 =	simm.s32 $_size__tile_overlayer_lowered;
	s7 =	simm.s32 $_tile_overlayer_lowered  }
0xa1: {  	s22 =	simm.s32 $0x1BFF;
	s21 =	sshll.u32 s7, $0x1;
	s4 =	sadd.s32 s5, s19  }
0xa2: {  	s8 =	simm.s32 $0x0;
	s20 =	sshll.u32 s6, $0x1;
	s6 =	sadd.s32 s21, s4  }
0xa3: {  	[timem:s8], [sflag:s22] =	dma.local [hbm:s6], s20  }
0xa4: {  	_ =	swait.ge [sflag:s22], s20  }
0xa5: {  	s5 =	ssub.s32 $0x0, s20;
	[sflag:s22] =	ssyncset.done $0x0  }
0xa6: {  	[sflag:s22] =	ssyncadd.s32 s5;
	_ =	sdelay $0x1  }
0xa7: {  	s23 =	simm.s32 $0x1B8B  }
0xa8: {  	_ =	swait.ge [sflag:s23], $0x1  }
0xa9: {  	[sflag:s23] =	ssyncset.done $0x0  }
0xaa: {  	s25 =	simm.s32 $0x1B8E;
	s24 =	sld [smem:$0x3FFE];
	[sflag:s23] =	ssyncadd.s32 $0xFFFFFFFF  }
0xab: {  	s26 =	simm.s32 $execute0_lowered;
	[smem:$0x3FD2] =	sst s25  }
0xac: {  	s6 =	sshll.u32 s26, $0x1;
	_ =	strace $0x80000046;
	[dreg:$0x1] =	wrdreg $0xFFFFFFFF  }
0xad: {  	s28 =	simm.s32 $_size_execute0_lowered;
	s4 =	sadd.s32 s4, s6;
	[dreg:$0x0] =	wrdreg $0x0  }
0xae: {  	s6 =	sshll.u32 s28, $0x1;
	[dreg:$0x2] =	wrdreg s4  }
0xaf: {  	[dreg:$0x3] =	wrdreg s6  }
0xb0: {  	[dreg:$0x4] =	wrdreg $0xC0  }
0xb1: {  	_ =	task [dreg:s8], $0x5FFFF  }
0xb2: {  	[dreg:$0x1] =	wrdreg $0xFFFFFFFF  }
0xb3: {  	[dreg:$0x0] =	wrdreg $0x60  }
0xb4: {  	[dreg:$0x2] =	wrdreg s17  }
0xb5: {  	[dreg:$0x3] =	wrdreg s16  }
0xb6: {  	[dreg:$0x4] =	wrdreg s24  }
0xb7: {  	[dreg:$0x5] =	wrdreg $0x9  }
0xb8: {  	_ =	task.clear_ibuf [dreg:s8], $0x6FFFF;
	_ =	strace $0x90000046  }
0xb9: {  	s29 =	simm.s32 $0x9;
	_ =	strace $0x80000048  }
0xba: {  	_ =	swait.ge [sflag:s29], $0x1  }
0xbb: {  	[sflag:s29] =	ssyncadd.s32 $0xFFFFFFFF  }
0xbc: {  	_ =	strace $0x90000048  }
0xbd: {  	_ =	sfence  }
0xbe: {  	s30 =	sld [smem:$0x0];
	_ =	sdelay $0x2  }
0xbf: {  	s31 =	sshll.u32 s1, $0xD;
	s1 =	sshrl.u32 s1, $0x2  }
0xc0: {  	s3 =	sand.u32 $0x4000, s31;
	s1 =	sadd.s32 s1, s30  }
0xc1: {  	s0 =	sor.u32 s3, s0;
	s1 =	sshll.u32 s1, $0x11  }
0xc2: {  	s0 =	sor.u32 s1, s0  }
0xc3: {  	s0 =	sadd.s32 $0x8F2B, s0  }
0xc4: {  	[sflag:s0] =	ssyncadd.remote.s32 $0x1  }
0xc5: {  	_ =	sfence.sel $0xFFFF  }
0xc6: {  	[dreg:$0x0] =	wrdreg $0xFFFFFFFF;
	(pc) =	sbr.abs _section_cstart, $3  }
0xc7: {  	[dreg:$0x1] =	wrdreg $0xFFFFFFFF  }
0xc8: {  	_ =	task.clear_ibuf [dreg:s8], $0x2FFFF;
	_ =	strace $0x9FFFFFFF  }
0xc9: {  	(tm) =	ssettm $0x7FFFFFFF  }
tec
execute0_lowered:
.L_overlay_start_1:
0x0: {  	(tag) =	ssettag $0x1  }
0x1: {  	s0 =	rddreg [dreg:$0x2];
	s4 =	simm.s32 $0x0  }
0x2: {  	s1 =	srdreg.scid;
	s2 =	stileid.u32;
	s31 =	simm.s32 $0x4000  }
0x3: {  	s9 =	simm.s32 $0x2000;
	[smem:$0x7FF] =	sst s4;
	s1 =	sand.u32 $0x1, s1  }
0x4: {  	s2 =	sshll.u32 s2, $0x1;
	s3 =	sadd.s32 $0x1800, s0;
	s11 =	sadd.s32 $0x1C00, s0  }
0x5: {  	s6 =	sadd.s32 $0x2000, s0;
	_ =	strace $0x80000047;
	[dreg:$0x4] =	wrdreg s3  }
0x6: {  	s8 =	sadd.s32 $0x101200, s0;
	[dreg:$0x5] =	wrdreg s11;
	s2 =	sor.u32 s1, s2  }
0x7: {  	s1 =	ssub.s32 $0x2, s1;
	[dreg:$0x6] =	wrdreg s6;
	s12 =	smul.u32 $0x3FC00, s2  }
0x8: {  	s3 =	simm.s32 $0x3;
	s11 =	simm.s32 $0x0;
	s5 =	smul.u32 $0xFF, s2  }
0x9: {  	s13 =	sshrl.u32 s1, $0x1;
	s14 =	smul.u32 $0xFF00, s2;
	s2 =	simm.s32 $0xC000  }
0xa: {  	s0 =	ssub.s32 s1, s13;
	s1 =	simm.s32 $0xA000;
	s21 =	sshrl.u32 s12, $0x3  }
0xb: {  	s7 =	sadd.s32 $0xFF, s5;
	s0 =	smax.u32 s0, $0x1;
	s26 =	sshrl.u32 s14, $0x3  }
0xc: {  	s14 =	smov.u32 s8;
	v0 =	vmov s5;
	s5 =	simm.s32 $0xE000;
	[dreg:$0x7] =	wrdreg s0  }
0xd: {  	s10 =	sadd.s32 s6, s21;
	s0 =	simm.s32 $0x8000;
	s6 =	simm.s32 $0x1  }
0xe: {  	v1 =	vmov s7;
	s7 =	simm.s32 $0x2;
	s22 =	sadd.s32 $0x7F8, s10;
	s23 =	sadd.s32 $0xFF0, s10  }
0xf: {  	s24 =	sadd.s32 $0x17E8, s10;
	s25 =	sadd.s32 $0x1FE0, s10;
	s15 =	sadd.s32 $0x27D8, s10  }
0x10: {  	s16 =	sadd.s32 $0x2FD0, s10;
	s17 =	sadd.s32 $0x37C8, s10;
	[dreg:$0x8] =	wrdreg s22  }
0x11: {  	s18 =	sadd.s32 $0x3FC0, s10;
	s19 =	sadd.s32 $0x47B8, s10;
	[dreg:$0x9] =	wrdreg s23  }
0x12: {  	s20 =	sadd.s32 $0x4FB0, s10;
	s21 =	sadd.s32 $0x57A8, s10;
	[dreg:$0xa] =	wrdreg s24  }
0x13: {  	[dreg:$0xb] =	wrdreg s25;
	s22 =	sadd.s32 $0x5FA0, s10;
	s23 =	sadd.s32 s8, s26  }
0x14: {  	s24 =	sadd.s32 $0x6798, s10;
	s25 =	sadd.s32 $0x6F90, s10;
	s26 =	sadd.s32 $0x7788, s10  }
0x15: {  	v2 =	vimm.f32 $0.0e+00;
	v3 =	vimm.s32 $0x0;
	s28 =	sadd.s32 $0x7F8, s23;
	s29 =	sadd.s32 $0xFF0, s23;
	s30 =	sadd.s32 $0x17E8, s23  }
.LBB2_1:
0x16: {  	s12 =	simm.s32 $0x20  }
0x17: {  	s8 =	simm.s32 $0x4020;
	[tilespmem:s12+$0xFFFFFFE0] =	vst v2  }
0x18: {  	[tilespmem:s8+$0xFFFFFFE0] =	vst v3  }
0x19: {  	[tilespmem:s12+$0xFFFFFFF0] =	vst v2  }
0x1a: {  	[tilespmem:s8+$0xFFFFFFF0] =	vst v3  }
0x1b: {  	[tilespmem:s12+$0x0] =	vst v2  }
0x1c: {  	[tilespmem:s8+$0x0] =	vst v3  }
0x1d: {  	[tilespmem:s12+$0x10] =	vst v2  }
0x1e: {  	s13 =	simm.s32 $0x60;
	s12 =	simm.s32 $0x0;
	[tilespmem:s8+$0x10] =	vst v3  }
.LBB2_2:
0x1f: {  	[tilespmem:s13+$0xFFFFFFE0] =	vst v2;
	s8 =	sadd.s32 $0x40, s8  }
0x20: {  	s12 =	sadd.s32 $0x4, s12;
	[tilespmem:s8+$0xFFFFFFE0] =	vst v3  }
0x21: {  	p0 =	slt.u32 s12, $0x3F8;
	[tilespmem:s13+$0xFFFFFFF0] =	vst v2  }
.Ltmp0:
0x22: {  	[tilespmem:s8+$0xFFFFFFF0] =	vst v3;
	(pc) =	sbr.rel @p0 .LBB2_2-.Ltmp0, $4  }
0x23: {  	[tilespmem:s13+$0x0] =	vst v2  }
0x24: {  	[tilespmem:s8+$0x0] =	vst v3  }
0x25: {  	[tilespmem:s13+$0x10] =	vst v2  }
0x26: {  	s13 =	sadd.s32 $0x40, s13;
	[tilespmem:s8+$0x10] =	vst v3  }
0x27: {  	[hbm4b:s10+s4] =	stream.linear.scatter [tilespmem:s4], [sflag:$0x1], $0x3FC0, $0x38;
	[tilespmem:$0x10000] =	vst v63  }
0x28: {  	s8 =	rddreg [dreg:$0x8]  }
0x29: {  	[hbm4b:s8+s4] =	stream.linear.scatter [tilespmem:s4], [sflag:$0x1], $0x3FC0, $0x38;
	[tilespmem:$0x10000] =	vst v63  }
0x2a: {  	s13 =	rddreg [dreg:$0x9]  }
0x2b: {  	[hbm4b:s13+s4] =	stream.linear.scatter [tilespmem:s4], [sflag:$0x1], $0x3FC0, $0x38;
	[tilespmem:$0x10000] =	vst v63  }
0x2c: {  	s12 =	rddreg [dreg:$0xa]  }
0x2d: {  	[hbm4b:s12+s4] =	stream.linear.scatter [tilespmem:s4], [sflag:$0x1], $0x3FC0, $0x38;
	[tilespmem:$0x10000] =	vst v63  }
0x2e: {  	s13 =	rddreg [dreg:$0xb]  }
0x2f: {  	[hbm4b:s13+s4] =	stream.linear.scatter [tilespmem:s4], [sflag:$0x1], $0x3FC0, $0x38;
	[tilespmem:$0x10000] =	vst v63  }
0x30: {  	_ = 	snop  }
0x31: {  	[hbm4b:s15+s4] =	stream.linear.scatter [tilespmem:s4], [sflag:$0x1], $0x3FC0, $0x38;
	[tilespmem:$0x10000] =	vst v63  }
0x32: {  	_ = 	snop  }
0x33: {  	[hbm4b:s16+s4] =	stream.linear.scatter [tilespmem:s4], [sflag:$0x1], $0x3FC0, $0x38;
	[tilespmem:$0x10000] =	vst v63  }
0x34: {  	_ = 	snop  }
0x35: {  	[hbm4b:s17+s4] =	stream.linear.scatter [tilespmem:s4], [sflag:$0x1], $0x3FC0, $0x38;
	[tilespmem:$0x10000] =	vst v63  }
0x36: {  	_ = 	snop  }
0x37: {  	[hbm4b:s18+s4] =	stream.linear.scatter [tilespmem:s4], [sflag:$0x1], $0x3FC0, $0x38;
	[tilespmem:$0x10000] =	vst v63  }
0x38: {  	_ = 	snop  }
0x39: {  	[hbm4b:s19+s4] =	stream.linear.scatter [tilespmem:s4], [sflag:$0x1], $0x3FC0, $0x38;
	[tilespmem:$0x10000] =	vst v63  }
0x3a: {  	_ = 	snop  }
0x3b: {  	[hbm4b:s20+s4] =	stream.linear.scatter [tilespmem:s4], [sflag:$0x1], $0x3FC0, $0x38;
	[tilespmem:$0x10000] =	vst v63  }
0x3c: {  	_ = 	snop  }
0x3d: {  	[hbm4b:s21+s4] =	stream.linear.scatter [tilespmem:s4], [sflag:$0x1], $0x3FC0, $0x38;
	[tilespmem:$0x10000] =	vst v63  }
0x3e: {  	_ = 	snop  }
0x3f: {  	[hbm4b:s22+s4] =	stream.linear.scatter [tilespmem:s4], [sflag:$0x1], $0x3FC0, $0x38;
	[tilespmem:$0x10000] =	vst v63  }
0x40: {  	_ = 	snop  }
0x41: {  	[hbm4b:s24+s4] =	stream.linear.scatter [tilespmem:s4], [sflag:$0x1], $0x3FC0, $0x38;
	[tilespmem:$0x10000] =	vst v63  }
0x42: {  	_ = 	snop  }
0x43: {  	[hbm4b:s25+s4] =	stream.linear.scatter [tilespmem:s4], [sflag:$0x1], $0x3FC0, $0x38;
	[tilespmem:$0x10000] =	vst v63  }
0x44: {  	_ = 	snop  }
0x45: {  	[hbm4b:s26+s4] =	stream.linear.scatter [tilespmem:s4], [sflag:$0x1], $0x3FC0, $0x38;
	[tilespmem:$0x10000] =	vst v63  }
0x46: {  	_ = 	snop  }
0x47: {  	[hbm4b:s23+s4] =	stream.linear.scatter [tilespmem:s31], [sflag:$0x1], $0x3FC0, $0x38;
	[tilespmem:$0x10000] =	vst v63  }
0x48: {  	_ = 	snop  }
0x49: {  	[hbm4b:s28+s4] =	stream.linear.scatter [tilespmem:s31], [sflag:$0x1], $0x3FC0, $0x38;
	[tilespmem:$0x10000] =	vst v63  }
0x4a: {  	_ = 	snop  }
0x4b: {  	[hbm4b:s29+s4] =	stream.linear.scatter [tilespmem:s31], [sflag:$0x1], $0x3FC0, $0x38;
	[tilespmem:$0x10000] =	vst v63  }
0x4c: {  	_ = 	snop  }
0x4d: {  	[hbm4b:s30+s4] =	stream.linear.scatter [tilespmem:s31], [sflag:$0x1], $0x3FC0, $0x38;
	[tilespmem:$0x10000] =	vst v63  }
0x4e: {  	s12 =	rddreg [dreg:$0x0]  }
0x4f: {  	[tilespmem:s0], [sflag:$0x3] =	stream.linear.gather [hbm4b:s12+s4], $0x2000, $0x38;
	[tilespmem:$0x10000] =	vst v63  }
0x50: {  	_ =	swait.ge [sflag:s3], $0x2000  }
0x51: {  	[sflag:s3] =	ssyncset.done $0x0  }
0x52: {  	[sflag:s3] =	ssyncadd.s32 $0xFFFFE000  }
0x53: {  	s13 =	rddreg [dreg:$0x1]  }
0x54: {  	[tilespmem:s1], [sflag:$0x3] =	stream.linear.gather [hbm4b:s13+s4], $0x2000, $0x38;
	[tilespmem:$0x10000] =	vst v63  }
0x55: {  	_ =	swait.ge [sflag:s3], $0x2000  }
0x56: {  	[sflag:s3] =	ssyncset.done $0x0  }
0x57: {  	s12 =	rddreg [dreg:$0x4];
	[sflag:s3] =	ssyncadd.s32 $0xFFFFE000  }
0x58: {  	[tilespmem:s2], [sflag:$0x3] =	stream.linear.gather [hbm4b:s12+s4], $0x2000, $0x38;
	[tilespmem:$0x10000] =	vst v63  }
0x59: {  	_ =	swait.ge [sflag:s3], $0x2000  }
0x5a: {  	[sflag:s3] =	ssyncset.done $0x0  }
0x5b: {  	s13 =	rddreg [dreg:$0x5];
	[sflag:s3] =	ssyncadd.s32 $0xFFFFE000  }
0x5c: {  	[tilespmem:s5], [sflag:$0x3] =	stream.linear.gather [hbm4b:s13+s4], $0x2000, $0x38;
	[tilespmem:$0x10000] =	vst v63  }
0x5d: {  	_ =	swait.ge [sflag:s3], $0x2000  }
0x5e: {  	[sflag:s3] =	ssyncset.done $0x0  }
0x5f: {  	s12 =	simm.s32 $0xA020;
	[sflag:s3] =	ssyncadd.s32 $0xFFFFE000  }
0x60: {  	v4 =	vld [tilespmem:s12+$0xFFFFFFE0];
	_ =	sdelay $0x4  }
0x61: {  	v5 =	vshra.s32 v4, $0xA  }
0x62: {  	vm0 =	vge.s32 v5, v0;
	vm1 =	vlt.s32 v5, v1  }
0x63: {  	vm0 =	vmand vm0, vm1  }
0x64: {  	v4 =	vnsel vm0, $0x7F8000, v4  }
0x65: {  	s8 =	simm.s32 $0xC020;
	[tilespmem:s12+$0xFFFFFFE0] =	vst v4  }
0x66: {  	v4 =	vld [tilespmem:s8+$0xFFFFFFE0];
	_ =	sdelay $0x4  }
0x67: {  	v4 =	vnsel vm0, $0x1FE000, v4  }
0x68: {  	[tilespmem:s8+$0xFFFFFFE0] =	vst v4  }
0x69: {  	v4 =	vld [tilespmem:s12+$0xFFFFFFF0];
	_ =	sdelay $0x4  }
0x6a: {  	v5 =	vshra.s32 v4, $0xA  }
0x6b: {  	vm10 =	vge.s32 v5, v0;
	vm11 =	vlt.s32 v5, v1  }
0x6c: {  	vm0 =	vmand vm10, vm11  }
0x6d: {  	v4 =	vnsel vm0, $0x7F8000, v4  }
0x6e: {  	[tilespmem:s12+$0xFFFFFFF0] =	vst v4  }
0x6f: {  	v4 =	vld [tilespmem:s8+$0xFFFFFFF0];
	_ =	sdelay $0x4  }
0x70: {  	v4 =	vnsel vm0, $0x1FE000, v4  }
0x71: {  	[tilespmem:s8+$0xFFFFFFF0] =	vst v4  }
0x72: {  	v4 =	vld [tilespmem:s12+$0x0];
	_ =	sdelay $0x4  }
0x73: {  	v5 =	vshra.s32 v4, $0xA  }
0x74: {  	vm12 =	vge.s32 v5, v0;
	vm13 =	vlt.s32 v5, v1  }
0x75: {  	vm0 =	vmand vm12, vm13  }
0x76: {  	v4 =	vnsel vm0, $0x7F8000, v4  }
0x77: {  	[tilespmem:s12+$0x0] =	vst v4  }
0x78: {  	v4 =	vld [tilespmem:s8+$0x0];
	_ =	sdelay $0x4  }
0x79: {  	v4 =	vnsel vm0, $0x1FE000, v4  }
0x7a: {  	[tilespmem:s8+$0x0] =	vst v4  }
0x7b: {  	v4 =	vld [tilespmem:s12+$0x10];
	_ =	sdelay $0x4  }
0x7c: {  	v5 =	vshra.s32 v4, $0xA  }
0x7d: {  	vm14 =	vge.s32 v5, v0;
	vm15 =	vlt.s32 v5, v1  }
0x7e: {  	vm0 =	vmand vm14, vm15  }
0x7f: {  	v4 =	vnsel vm0, $0x7F8000, v4  }
0x80: {  	[tilespmem:s12+$0x10] =	vst v4  }
0x81: {  	v4 =	vld [tilespmem:s8+$0x10];
	_ =	sdelay $0x4  }
0x82: {  	s13 =	simm.s32 $0x0;
	v4 =	vnsel vm0, $0x1FE000, v4  }
.LBB2_4:
0x83: {  	s13 =	sadd.s32 $0x4, s13;
	[tilespmem:s8+$0x10] =	vst v4;
	s8 =	sadd.s32 $0x40, s8;
	s12 =	sadd.s32 $0x40, s12  }
0x84: {  	v4 =	vld [tilespmem:s12+$0xFFFFFFE0];
	p0 =	slt.u32 s13, $0x1FC;
	_ =	sdelay $0x4  }
0x85: {  	v5 =	vshra.s32 v4, $0xA  }
0x86: {  	vm0 =	vge.s32 v5, v0;
	vm1 =	vlt.s32 v5, v1  }
0x87: {  	vm0 =	vmand vm0, vm1  }
0x88: {  	v4 =	vnsel vm0, $0x7F8000, v4  }
0x89: {  	[tilespmem:s12+$0xFFFFFFE0] =	vst v4  }
0x8a: {  	v4 =	vld [tilespmem:s8+$0xFFFFFFE0];
	_ =	sdelay $0x4  }
0x8b: {  	v4 =	vnsel vm0, $0x1FE000, v4  }
0x8c: {  	[tilespmem:s8+$0xFFFFFFE0] =	vst v4  }
0x8d: {  	v4 =	vld [tilespmem:s12+$0xFFFFFFF0];
	_ =	sdelay $0x4  }
0x8e: {  	v5 =	vshra.s32 v4, $0xA  }
0x8f: {  	vm0 =	vge.s32 v5, v0;
	vm1 =	vlt.s32 v5, v1  }
0x90: {  	vm0 =	vmand vm0, vm1  }
0x91: {  	v4 =	vnsel vm0, $0x7F8000, v4  }
0x92: {  	[tilespmem:s12+$0xFFFFFFF0] =	vst v4  }
0x93: {  	v4 =	vld [tilespmem:s8+$0xFFFFFFF0];
	_ =	sdelay $0x4  }
0x94: {  	v4 =	vnsel vm0, $0x1FE000, v4  }
0x95: {  	[tilespmem:s8+$0xFFFFFFF0] =	vst v4  }
0x96: {  	v4 =	vld [tilespmem:s12+$0x0];
	_ =	sdelay $0x4  }
0x97: {  	v5 =	vshra.s32 v4, $0xA  }
0x98: {  	vm0 =	vge.s32 v5, v0;
	vm1 =	vlt.s32 v5, v1  }
0x99: {  	vm0 =	vmand vm0, vm1  }
0x9a: {  	v4 =	vnsel vm0, $0x7F8000, v4  }
0x9b: {  	[tilespmem:s12+$0x0] =	vst v4  }
0x9c: {  	v4 =	vld [tilespmem:s8+$0x0];
	_ =	sdelay $0x4  }
0x9d: {  	v4 =	vnsel vm0, $0x1FE000, v4  }
0x9e: {  	[tilespmem:s8+$0x0] =	vst v4  }
0x9f: {  	v4 =	vld [tilespmem:s12+$0x10];
	_ =	sdelay $0x4  }
0xa0: {  	v5 =	vshra.s32 v4, $0xA  }
0xa1: {  	vm0 =	vge.s32 v5, v0;
	vm1 =	vlt.s32 v5, v1  }
0xa2: {  	vm0 =	vmand vm0, vm1  }
0xa3: {  	v4 =	vnsel vm0, $0x7F8000, v4  }
0xa4: {  	[tilespmem:s12+$0x10] =	vst v4  }
0xa5: {  	v4 =	vld [tilespmem:s8+$0x10]  }
.Ltmp1:
0xa6: {  	(pc) =	sbr.rel @p0 .LBB2_4-.Ltmp1, $2  }
0xa7: {  	_ =	sdelay $0x2  }
0xa8: {  	v4 =	vnsel vm0, $0x1FE000, v4  }
0xa9: {  	[tilespmem:s8+$0x10] =	vst v4  }
0xaa: {  	_ =	swait.ge [sflag:s6], $0x3FC0  }
0xab: {  	[sflag:s6] =	ssyncset.done $0x0  }
0xac: {  	[sflag:s6] =	ssyncadd.s32 $0xFFFFC040  }
0xad: {  	_ =	swait.ge [sflag:s6], $0x3FC0  }
0xae: {  	[sflag:s6] =	ssyncset.done $0x0  }
0xaf: {  	[sflag:s6] =	ssyncadd.s32 $0xFFFFC040  }
0xb0: {  	_ =	swait.ge [sflag:s6], $0x3FC0  }
0xb1: {  	[sflag:s6] =	ssyncset.done $0x0  }
0xb2: {  	[sflag:s6] =	ssyncadd.s32 $0xFFFFC040  }
0xb3: {  	_ =	swait.ge [sflag:s6], $0x3FC0  }
0xb4: {  	[sflag:s6] =	ssyncset.done $0x0  }
0xb5: {  	[sflag:s6] =	ssyncadd.s32 $0xFFFFC040  }
0xb6: {  	_ =	swait.ge [sflag:s6], $0x3FC0  }
0xb7: {  	[sflag:s6] =	ssyncset.done $0x0  }
0xb8: {  	[sflag:s6] =	ssyncadd.s32 $0xFFFFC040  }
0xb9: {  	_ =	swait.ge [sflag:s6], $0x3FC0  }
0xba: {  	[sflag:s6] =	ssyncset.done $0x0  }
0xbb: {  	[sflag:s6] =	ssyncadd.s32 $0xFFFFC040  }
0xbc: {  	_ =	swait.ge [sflag:s6], $0x3FC0  }
0xbd: {  	[sflag:s6] =	ssyncset.done $0x0  }
0xbe: {  	[sflag:s6] =	ssyncadd.s32 $0xFFFFC040  }
0xbf: {  	_ =	swait.ge [sflag:s6], $0x3FC0  }
0xc0: {  	[sflag:s6] =	ssyncset.done $0x0  }
0xc1: {  	[sflag:s6] =	ssyncadd.s32 $0xFFFFC040  }
0xc2: {  	_ =	swait.ge [sflag:s6], $0x3FC0  }
0xc3: {  	[sflag:s6] =	ssyncset.done $0x0  }
0xc4: {  	[sflag:s6] =	ssyncadd.s32 $0xFFFFC040  }
0xc5: {  	_ =	swait.ge [sflag:s6], $0x3FC0  }
0xc6: {  	[sflag:s6] =	ssyncset.done $0x0  }
0xc7: {  	[sflag:s6] =	ssyncadd.s32 $0xFFFFC040  }
0xc8: {  	_ =	swait.ge [sflag:s6], $0x3FC0  }
0xc9: {  	[sflag:s6] =	ssyncset.done $0x0  }
0xca: {  	[sflag:s6] =	ssyncadd.s32 $0xFFFFC040  }
0xcb: {  	_ =	swait.ge [sflag:s6], $0x3FC0  }
0xcc: {  	[sflag:s6] =	ssyncset.done $0x0  }
0xcd: {  	[sflag:s6] =	ssyncadd.s32 $0xFFFFC040  }
0xce: {  	_ =	swait.ge [sflag:s6], $0x3FC0  }
0xcf: {  	[sflag:s6] =	ssyncset.done $0x0  }
0xd0: {  	[sflag:s6] =	ssyncadd.s32 $0xFFFFC040  }
0xd1: {  	_ =	swait.ge [sflag:s6], $0x3FC0  }
0xd2: {  	[sflag:s6] =	ssyncset.done $0x0  }
0xd3: {  	[sflag:s6] =	ssyncadd.s32 $0xFFFFC040  }
0xd4: {  	_ =	swait.ge [sflag:s6], $0x3FC0  }
0xd5: {  	[sflag:s6] =	ssyncset.done $0x0  }
0xd6: {  	[sflag:s6] =	ssyncadd.s32 $0xFFFFC040  }
0xd7: {  	_ =	swait.ge [sflag:s6], $0x3FC0  }
0xd8: {  	[sflag:s6] =	ssyncset.done $0x0  }
0xd9: {  	[sflag:s6] =	ssyncadd.s32 $0xFFFFC040  }
0xda: {  	_ =	swait.ge [sflag:s6], $0x3FC0  }
0xdb: {  	[sflag:s6] =	ssyncset.done $0x0  }
0xdc: {  	[sflag:s6] =	ssyncadd.s32 $0xFFFFC040  }
0xdd: {  	_ =	swait.ge [sflag:s6], $0x3FC0  }
0xde: {  	[sflag:s6] =	ssyncset.done $0x0  }
0xdf: {  	[sflag:s6] =	ssyncadd.s32 $0xFFFFC040  }
0xe0: {  	_ =	swait.ge [sflag:s6], $0x3FC0  }
0xe1: {  	[sflag:s6] =	ssyncset.done $0x0  }
0xe2: {  	[sflag:s6] =	ssyncadd.s32 $0xFFFFC040  }
0xe3: {  	_ =	swait.ge [sflag:s6], $0x3FC0  }
0xe4: {  	[sflag:s6] =	ssyncset.done $0x0  }
0xe5: {  	s12 =	rddreg [dreg:$0x6];
	[sflag:s6] =	ssyncadd.s32 $0xFFFFC040  }
0xe6: {  	[hbm4b:s12+s9] =	stream.indirect.scatter [tilespmem:s0], [sflag:$0x2], $0x1, s1, s9, $0xb8;
	[tilespmem:$0x10000] =	vst v63  }
0xe7: {  	_ = 	snop  }
0xe8: {  	[hbm4b:s14+s9] =	stream.indirect.scatter [tilespmem:s5], [sflag:$0x2], $0x1, s2, s9, $0xb8;
	[tilespmem:$0x10000] =	vst v63  }
0xe9: {  	_ =	swait.ge [sflag:s7], $0x2000  }
0xea: {  	[sflag:s7] =	ssyncset.done $0x0  }
0xeb: {  	[sflag:s7] =	ssyncadd.s32 $0xFFFFE000  }
0xec: {  	_ =	swait.ge [sflag:s7], $0x2000  }
0xed: {  	s11 =	sadd.s32 $0x1, s11;
	s13 =	rddreg [dreg:$0x7]  }
0xee: {  	p0 =	sne.s32 s11, s13  }
.Ltmp2:
0xef: {  	_ = 	snop;
	(pc) =	sbr.rel @p0 .LBB2_1-.Ltmp2, $3  }
0xf0: {  	_ =	sdelay $0x1  }
0xf1: {  	[sflag:s7] =	ssyncset.done $0x0  }
0xf2: {  	[sflag:s7] =	ssyncadd.s32 $0xFFFFE000  }
0xf3: {  	_ =	sfence.sel $0x180000  }
0xf4: {  	[bflag:$0x0] =	sbarrier.arrive $0xFFFF  }
0xf5: {  	_ =	strace $0x90000047  }
0xf6: {  	s0 =	stileid.u32;
	[bflag:$0x2] =	sbarrier.arrive $0xFFFF  }
0xf7: {  	p0 =	sne.s32 s0, $0x0;
	s0 =	rddreg [dreg:$0x3]  }
0xf8: {  	s0 =	sadd.s32 @!p0 $0x100000, s0  }
0xf9: {  	[sflag:s0] =	ssyncadd.tile.s32 @!p0 $0x1;
	_ =	shalt  }
.Lfunc_end2:
_tile_overlayer_lowered:
.L_overlay_start_2:
0xfa: {  	(tag) =	ssettag $0x2  }
0xfb: {  	s0 =	rddreg [dreg:$0x0];
	s2 =	stileid.u32  }
0xfc: {  	s1 =	rddreg [dreg:$0x1];
	p0 =	sne.s32 s2, $0x0  }
0xfd: {  	s3 =	rddreg [dreg:$0x2];
	[bflag:$0x3] =	sbarrier.arrive $0xFFFF;
	s2 =	simm.s32 @!p0 $0x1C03  }
0xfe: {  	[timem:s3], [sflag:s2] =	dma.local @!p0 [hbm:s0], s1  }
0xff: {  	s0 =	simm.s32 @!p0 $0x3  }
0x100: {  	_ =	swait.ge @!p0 [sflag:s0], s1  }
0x101: {  	s1 =	ssub.s32 @!p0 $0x0, s1;
	[sflag:s0] =	ssyncset.done @!p0 $0x0  }
0x102: {  	[sflag:s0] =	ssyncadd.s32 @!p0 s1  }
0x103: {  	[bflag:$0x3] =	sbarrier.arrive $0xFFFF  }
0x104: {  	_ =	shalt  }

</sc_bundles>
